<compile_context>
chip_gen: v7x
topology: tpu7x:2x2x1
jax: 0.10.2.dev20260603
libtpu: 0.0.44.dev20260713+nightly
codegen_flags: <defaults>
</compile_context>

<pallas_src>
import functools

import jax
import jax.numpy as jnp
from jax import lax
from jax.experimental import pallas as pl
from jax.experimental.pallas import tpu as pltpu
from jax.experimental.pallas import tpu_sc as plsc

NC = 2
NS = 16
LANES = 16


def _make_sc_deg(E_pad, N_pad):
    epw = E_pad // (NC * NS)
    CH = 1280
    assert epw % CH == 0 and CH % LANES == 0
    n_ch = epw // CH
    R = N_pad // 128
    mesh = plsc.VectorSubcoreMesh(core_axis_name="c", subcore_axis_name="s",
                                  num_cores=NC, num_subcores=NS)

    @functools.partial(
        pl.kernel,
        out_type=jax.ShapeDtypeStruct((NC * NS, R, 128), jnp.float32),
        mesh=mesh,
        compiler_params=pltpu.CompilerParams(needs_layout_passes=False),
        scratch_types=[
            pltpu.VMEM((CH,), jnp.int32),
            pltpu.VMEM((R, 128), jnp.float32),
        ],
    )
    def deg_kernel(dst_hbm, zeros_hbm, out_hbm, dst_v, hist):
        c = lax.axis_index("c")
        s = lax.axis_index("s")
        wid = c * NS + s
        pltpu.sync_copy(zeros_hbm, hist)
        ones = jnp.full((LANES,), 1.0, jnp.float32)

        def chunk(k, _):
            base = pl.multiple_of(wid * epw + k * CH, 8)
            pltpu.sync_copy(dst_hbm.at[pl.ds(base, CH)], dst_v)

            def vec(j, _):
                iv = dst_v[pl.ds(j * LANES, LANES)]
                ir = lax.shift_right_logical(iv, 7)
                il = lax.bitwise_and(iv, 127)
                plsc.addupdate_scatter(hist, [ir, il], ones)
                return 0

            lax.fori_loop(0, CH // LANES, vec, 0)
            return 0

        lax.fori_loop(0, n_ch, chunk, 0)
        pltpu.sync_copy(hist, out_hbm.at[wid])

    return deg_kernel


def _make_sc_agg(E_pad, N_pad, Dh):
    ept = E_pad // NS
    K = 128
    B = 16
    assert ept % (K * B) == 0
    n_bulks = ept // (K * B)
    rowb = ept // K
    rpt = N_pad // NS
    assert rpt % 8 == 0
    mesh = plsc.VectorSubcoreMesh(core_axis_name="c", subcore_axis_name="s",
                                  num_cores=NC, num_subcores=NS)

    @functools.partial(
        pl.kernel,
        out_type=jax.ShapeDtypeStruct((NC, N_pad, Dh), jnp.float32),
        mesh=mesh,
        scratch_types=[
            pltpu.VMEM((B, K), jnp.int32),
            pltpu.VMEM((B, K), jnp.int32),
            pltpu.VMEM((K, Dh), jnp.float32),
            pltpu.VMEM((K, Dh), jnp.float32),
            pltpu.SemaphoreType.DMA,
            pltpu.SemaphoreType.DMA,
            pltpu.VMEM_SHARED((N_pad, Dh), jnp.float32),
        ],
    )
    def agg_kernel(hp_hbm, src_hbm, dst_hbm, out_hbm,
                   sidx, didx, rows_v0, rows_v1, sem0, sem1, acc):
        c = lax.axis_index("c")
        s = lax.axis_index("s")
        hp_c = hp_hbm.at[c]
        rows = (rows_v0, rows_v1)
        sems = (sem0, sem1)
        pltpu.sync_copy(hp_c.at[pl.ds(s * rpt, rpt)],
                        acc.at[pl.ds(s * rpt, rpt)])
        plsc.subcore_barrier()

        def start_chunk(j, b):
            pltpu.async_copy(hp_c.at[sidx.at[j]], rows[b], sems[b])

        def finish_chunk(j, b):
            pltpu.make_async_copy(hp_c.at[sidx.at[j]], rows[b],
                                  sems[b]).wait()
            pltpu.sync_copy(rows[b], acc.at[didx.at[j]], add=True)

        def bulk(m, _):
            row0 = pl.multiple_of(s * rowb + m * B, 8)
            pltpu.sync_copy(src_hbm.at[pl.ds(row0, B)], sidx)
            pltpu.sync_copy(dst_hbm.at[pl.ds(row0, B)], didx)
            start_chunk(0, 0)

            def pair(j2, _):
                j = j2 * 2
                start_chunk(j + 1, 1)
                finish_chunk(j, 0)

                @pl.when(j + 2 < B)
                def _():
                    start_chunk(j + 2, 0)

                finish_chunk(j + 1, 1)
                return 0

            lax.fori_loop(0, B // 2, pair, 0)
            return 0

        lax.fori_loop(0, n_bulks, bulk, 0)
        plsc.subcore_barrier()
        pltpu.sync_copy(acc.at[pl.ds(s * rpt, rpt)],
                        out_hbm.at[c].at[pl.ds(s * rpt, rpt)])

    return agg_kernel


def _dinv_blk(deg_ref):
    d = deg_ref[...]
    deg = jnp.sum(d, axis=1) + 1.0
    return lax.rsqrt(deg)


def _tc1_body(x_ref, w_ref, deg_ref, o_ref):
    dinv = _dinv_blk(deg_ref)
    h = jnp.dot(x_ref[...], w_ref[...], preferred_element_type=jnp.float32)
    o_ref[0] = h * dinv[:, None]


def _tc2_body(a_ref, deg_ref, b_ref, w_ref, o_ref):
    dinv = _dinv_blk(deg_ref)
    agg = jnp.concatenate([a_ref[0], a_ref[1]], axis=1)
    z = agg * dinv[:, None] + b_ref[...][None, :]
    h = jnp.where(z > 0, z, jnp.exp(jnp.minimum(z, 0.0)) - 1.0)
    o_ref[0] = jnp.dot(h, w_ref[...],
                       preferred_element_type=jnp.float32) * dinv[:, None]


def _tc3_body(a_ref, deg_ref, b_ref, o_ref):
    dinv = _dinv_blk(deg_ref)
    agg = jnp.concatenate([a_ref[0], a_ref[1]], axis=1)
    o_ref[...] = agg * dinv[:, None] + b_ref[...][None, :]


def _tc1(x, W, deg2, N_pad, blk):
    N, Din = x.shape
    Dh = W.shape[1] // NC
    grid = (NC, N // blk)
    return pl.pallas_call(
        _tc1_body,
        grid=grid,
        in_specs=[
            pl.BlockSpec((blk, Din), lambda c, i: (i, 0)),
            pl.BlockSpec((Din, Dh), lambda c, i: (0, c)),
            pl.BlockSpec((blk, NC * NS), lambda c, i: (i, 0)),
        ],
        out_specs=pl.BlockSpec((1, blk, Dh), lambda c, i: (c, i, 0)),
        out_shape=jax.ShapeDtypeStruct((NC, N_pad, Dh), jnp.float32),
    )(x, W, deg2)


def _tc2(agg, deg2, b, W, blk):
    _, N_pad, Dh = agg.shape
    N = deg2.shape[0]
    D = W.shape[0]
    grid = (NC, N // blk)
    return pl.pallas_call(
        _tc2_body,
        grid=grid,
        in_specs=[
            pl.BlockSpec((NC, blk, Dh), lambda c, i: (0, i, 0)),
            pl.BlockSpec((blk, NC * NS), lambda c, i: (i, 0)),
            pl.BlockSpec((D,), lambda c, i: (0,)),
            pl.BlockSpec((D, Dh), lambda c, i: (0, c)),
        ],
        out_specs=pl.BlockSpec((1, blk, Dh), lambda c, i: (c, i, 0)),
        out_shape=jax.ShapeDtypeStruct((NC, N_pad, Dh), jnp.float32),
    )(agg, deg2, b, W)


def _tc3(agg, deg2, b, blk):
    _, N_pad, Dh = agg.shape
    N = deg2.shape[0]
    D = Dh * NC
    grid = (N // blk,)
    return pl.pallas_call(
        _tc3_body,
        grid=grid,
        in_specs=[
            pl.BlockSpec((NC, blk, Dh), lambda i: (0, i, 0)),
            pl.BlockSpec((blk, NC * NS), lambda i: (i, 0)),
            pl.BlockSpec((D,), lambda i: (0,)),
        ],
        out_specs=pl.BlockSpec((blk, D), lambda i: (i, 0)),
        out_shape=jax.ShapeDtypeStruct((N, D), jnp.float32),
    )(agg, deg2, b)


@jax.jit
def kernel(x, edge_index, W1, b1, W2, b2):
    N, Din = x.shape
    E = edge_index.shape[1]
    Dh = W1.shape[1] // NC
    N_pad = ((N + NS * LANES - 1) // (NS * LANES)) * (NS * LANES)
    blk = 2000

    src = edge_index[0]
    dst = edge_index[1]

    gran = NS * 128 * 2
    E_pad = ((E + gran - 1) // gran) * gran
    n_extra = E_pad - E
    pad_idx = N + (jnp.arange(n_extra, dtype=jnp.int32) % (N_pad - N))
    src = jnp.concatenate([src, pad_idx])
    dst = jnp.concatenate([dst, pad_idx])

    sc_agg = _make_sc_agg(E_pad, N_pad, Dh)
    src2d = src.reshape(E_pad // 128, 128)
    dst2d = dst.reshape(E_pad // 128, 128)

    zeros_h = jnp.zeros((N_pad // 128, 128), jnp.float32)
    degp = _make_sc_deg(E_pad, N_pad)(dst, zeros_h)
    deg2 = degp.reshape(NC * NS, N_pad)[:, :N].T

    hp1 = _tc1(x, W1, deg2, N_pad, blk)
    agg1 = sc_agg(hp1, src2d, dst2d)
    hp2 = _tc2(agg1, deg2, b1, W2, blk)
    agg2 = sc_agg(hp2, src2d, dst2d)
    return _tc3(agg2, deg2, b2, blk)

# --- scband reference (transcript-rebuilt; emitter-appended) ---
"""Pipeline reference for scband-gcn-60902636257633 (READ-ONLY COPY).

The authoritative reference and input builder live on the scoring server;
editing this copy changes nothing except your own understanding.
"""

import jax, jax.numpy as jnp
import numpy as np


def _gcn_conv(x, src, dst, W, b):
    N = x.shape[0]
    h = x @ W
    ew = jnp.ones(src.shape[0], dtype=x.dtype)
    deg = jnp.zeros((N,), dtype=x.dtype).at[dst].add(ew)
    dinv = jnp.where(deg > 0, jax.lax.rsqrt(jnp.maximum(deg, 1e-12)), 0.0)
    norm = dinv[src] * ew * dinv[dst]
    msg = h[src] * norm[:, None]
    out = jnp.zeros((N, h.shape[1]), dtype=x.dtype).at[dst].add(msg)
    return out + b


def setup_inputs(seed: int = 0):
    key = jax.random.key(seed)
    k1, k2, k3, k4 = jax.random.split(key, 4)
    N, E = 10000, 160000
    Din, H, Dout = 256, 256, 256
    x = jax.random.normal(k1, (N, Din), dtype=jnp.float32)
    edge_index = jax.random.randint(k2, (2, E), 0, N, dtype=jnp.int32)
    W1 = jax.random.normal(k3, (Din, H), dtype=jnp.float32) * (1.0 / np.sqrt(Din))
    b1 = jnp.zeros((H,), dtype=jnp.float32)
    W2 = jax.random.normal(k4, (H, Dout), dtype=jnp.float32) * (1.0 / np.sqrt(H))
    b2 = jnp.zeros((Dout,), dtype=jnp.float32)
    return {"x": x, "edge_index": edge_index, "W1": W1, "b1": b1, "W2": W2, "b2": b2}


def reference(x, edge_index, W1, b1, W2, b2):
    N = x.shape[0]
    loop = jnp.arange(N, dtype=edge_index.dtype)
    src = jnp.concatenate([edge_index[0], loop])
    dst = jnp.concatenate([edge_index[1], loop])
    h = jax.nn.elu(_gcn_conv(x, src, dst, W1, b1))
    out = _gcn_conv(h, src, dst, W2, b2)
    return out

if __name__ == "__main__":
    import jax
    _d = setup_inputs()
    print(jax.jit(kernel)(*tuple(_d.values())))

</pallas_src>

<mosaic_0001>
#map = affine_map<(d0, d1) -> (0, 0, 0)>
#map1 = affine_map<(d0, d1) -> (0, 0)>
module attributes {stable_mosaic.version = 14 : i64} {
  func.func @agg_kernel(%arg0: i32, %arg1: i32, %arg2: memref<2x10240x128xf32, #tpu.memory_space<hbm>>, %arg3: memref<1280x128xi32, #tpu.memory_space<hbm>>, %arg4: memref<1280x128xi32, #tpu.memory_space<hbm>>, %arg5: memref<2x10240x128xf32, #tpu.memory_space<hbm>>, %arg6: memref<16x128xi32, #tpu.memory_space<vmem>>, %arg7: memref<16x128xi32, #tpu.memory_space<vmem>>, %arg8: memref<128x128xf32, #tpu.memory_space<vmem>>, %arg9: memref<128x128xf32, #tpu.memory_space<vmem>>, %arg10: memref<!tpu.dma_semaphore, #tpu.memory_space<semaphore_mem>>, %arg11: memref<!tpu.dma_semaphore, #tpu.memory_space<semaphore_mem>>, %arg12: memref<10240x128xf32, #tpu.memory_space<vmem_shared>>) attributes {dimension_semantics = [#tpu.dimension_semantics<core_parallel>, #tpu.dimension_semantics<subcore_parallel>], iteration_bounds = array<i64: 2, 16>, scalar_prefetch = 0 : i64, scratch_operands = 7 : i64, tpu.core_type = #tpu.core_type<sc_vector_subcore>, window_params = [{transform_indices = #map}, {transform_indices = #map1}, {transform_indices = #map1}, {transform_indices = #map}]} {
    %mul3A = arith.constant 640 : i32
    %mul3A_0 = arith.muli %arg1, %mul3A : i32
    %mul3A_1 = arith.constant 640 : i32
    %mul3A_2 = arith.muli %arg1, %mul3A_1 : i32
    "tpu.region"() ({
      %run_scoped3A = tpu.sem_alloc : memref<!tpu.dma_semaphore, #tpu.memory_space<semaphore_mem>>
      %dma_start3A = arith.constant 0 : i32
      %dma_start3A_14 = tpu.memref_slice %arg12[%mul3A_2, %dma_start3A] : memref<10240x128xf32, #tpu.memory_space<vmem_shared>> -> memref<640x128xf32, #tpu.memory_space<vmem_shared>>
      %dma_start3A_15 = arith.constant 0 : i32
      %dma_start3A_16 = arith.constant 0 : i32
      %dma_start3A_17 = tpu.memref_slice %arg2[%arg0, %dma_start3A_15, %dma_start3A_16] : memref<2x10240x128xf32, #tpu.memory_space<hbm>> -> memref<1x10240x128xf32, #tpu.memory_space<hbm>>
      %dma_start3A_18 = tpu.memref_squeeze %dma_start3A_17 : memref<1x10240x128xf32, #tpu.memory_space<hbm>> -> memref<10240x128xf32, #tpu.memory_space<hbm>>
      %dma_start3A_19 = arith.constant 0 : i32
      %dma_start3A_20 = tpu.memref_slice %dma_start3A_18[%mul3A_0, %dma_start3A_19] : memref<10240x128xf32, #tpu.memory_space<hbm>> -> memref<640x128xf32, #tpu.memory_space<hbm>>
      tpu.enqueue_dma source(%dma_start3A_20 : memref<640x128xf32, #tpu.memory_space<hbm>>) target(%dma_start3A_14 : memref<640x128xf32, #tpu.memory_space<vmem_shared>>) target_semaphore(%run_scoped3A : memref<!tpu.dma_semaphore, #tpu.memory_space<semaphore_mem>>)
      %dma_wait3A = arith.constant 0 : i32
      %dma_wait3A_21 = tpu.memref_slice %arg12[%mul3A_2, %dma_wait3A] : memref<10240x128xf32, #tpu.memory_space<vmem_shared>> -> memref<640x128xf32, #tpu.memory_space<vmem_shared>>
      %dma_wait3A_22 = arith.constant 0 : i32
      %dma_wait3A_23 = arith.constant 0 : i32
      %dma_wait3A_24 = tpu.memref_slice %arg2[%arg0, %dma_wait3A_22, %dma_wait3A_23] : memref<2x10240x128xf32, #tpu.memory_space<hbm>> -> memref<1x10240x128xf32, #tpu.memory_space<hbm>>
      %dma_wait3A_25 = tpu.memref_squeeze %dma_wait3A_24 : memref<1x10240x128xf32, #tpu.memory_space<hbm>> -> memref<10240x128xf32, #tpu.memory_space<hbm>>
      %dma_wait3A_26 = arith.constant 0 : i32
      %dma_wait3A_27 = tpu.memref_slice %dma_wait3A_25[%mul3A_0, %dma_wait3A_26] : memref<10240x128xf32, #tpu.memory_space<hbm>> -> memref<640x128xf32, #tpu.memory_space<hbm>>
      tpu.wait_dma2 semaphore(%run_scoped3A : memref<!tpu.dma_semaphore, #tpu.memory_space<semaphore_mem>>) src(%dma_wait3A_27 : memref<640x128xf32, #tpu.memory_space<hbm>>) dst(%dma_wait3A_21 : memref<640x128xf32, #tpu.memory_space<vmem_shared>>)
      tpu.yield
    }) : () -> ()
    %barrier3A = arith.constant 0 : index
    tpu.barrier barrier_id(%barrier3A)
    %scan3A = arith.constant 0 : i32
    %scan3A_3 = arith.constant 0 : i32
    %scan3A_4 = arith.constant 5 : i32
    %scan3A_5 = arith.addi %scan3A_3, %scan3A_4 : i32
    %scan3A_6 = arith.constant 1 : i32
    %scan3A_7 = scf.for %scan3A_14 = %scan3A_3 to %scan3A_5 step %scan3A_6 iter_args(%scan3A_15 = %scan3A) -> (i32)  : i32 {
      %mul3A_16 = arith.constant 80 : i32
      %mul3A_17 = arith.muli %arg1, %mul3A_16 : i32
      %mul3A_18 = arith.constant 16 : i32
      %mul3A_19 = arith.muli %scan3A_14, %mul3A_18 : i32
      %add3A = arith.addi %mul3A_17, %mul3A_19 : i32
      %multiple_of3A = tpu.assume_multiple %add3A, 8 : i32
      "tpu.region"() ({
        %run_scoped3A = tpu.sem_alloc : memref<!tpu.dma_semaphore, #tpu.memory_space<semaphore_mem>>
        %dma_start3A_38 = arith.constant 0 : i32
        %dma_start3A_39 = tpu.memref_slice %arg3[%multiple_of3A, %dma_start3A_38] : memref<1280x128xi32, #tpu.memory_space<hbm>> -> memref<16x128xi32, #tpu.memory_space<hbm>>
        %dma_start3A_40 = arith.constant 0 : i32
        %dma_start3A_41 = tpu.memref_slice %arg3[%multiple_of3A, %dma_start3A_40] : memref<1280x128xi32, #tpu.memory_space<hbm>> -> memref<16x128xi32, #tpu.memory_space<hbm>>
        tpu.enqueue_dma source(%dma_start3A_41 : memref<16x128xi32, #tpu.memory_space<hbm>>) target(%arg6 : memref<16x128xi32, #tpu.memory_space<vmem>>) target_semaphore(%run_scoped3A : memref<!tpu.dma_semaphore, #tpu.memory_space<semaphore_mem>>)
        %dma_wait3A = arith.constant 0 : i32
        %dma_wait3A_42 = tpu.memref_slice %arg3[%multiple_of3A, %dma_wait3A] : memref<1280x128xi32, #tpu.memory_space<hbm>> -> memref<16x128xi32, #tpu.memory_space<hbm>>
        %dma_wait3A_43 = arith.constant 0 : i32
        %dma_wait3A_44 = tpu.memref_slice %arg3[%multiple_of3A, %dma_wait3A_43] : memref<1280x128xi32, #tpu.memory_space<hbm>> -> memref<16x128xi32, #tpu.memory_space<hbm>>
        tpu.wait_dma2 semaphore(%run_scoped3A : memref<!tpu.dma_semaphore, #tpu.memory_space<semaphore_mem>>) src(%dma_wait3A_44 : memref<16x128xi32, #tpu.memory_space<hbm>>) dst(%arg6 : memref<16x128xi32, #tpu.memory_space<vmem>>)
        tpu.yield
      }) : () -> ()
      "tpu.region"() ({
        %run_scoped3A = tpu.sem_alloc : memref<!tpu.dma_semaphore, #tpu.memory_space<semaphore_mem>>
        %dma_start3A_38 = arith.constant 0 : i32
        %dma_start3A_39 = tpu.memref_slice %arg4[%multiple_of3A, %dma_start3A_38] : memref<1280x128xi32, #tpu.memory_space<hbm>> -> memref<16x128xi32, #tpu.memory_space<hbm>>
        %dma_start3A_40 = arith.constant 0 : i32
        %dma_start3A_41 = tpu.memref_slice %arg4[%multiple_of3A, %dma_start3A_40] : memref<1280x128xi32, #tpu.memory_space<hbm>> -> memref<16x128xi32, #tpu.memory_space<hbm>>
        tpu.enqueue_dma source(%dma_start3A_41 : memref<16x128xi32, #tpu.memory_space<hbm>>) target(%arg7 : memref<16x128xi32, #tpu.memory_space<vmem>>) target_semaphore(%run_scoped3A : memref<!tpu.dma_semaphore, #tpu.memory_space<semaphore_mem>>)
        %dma_wait3A = arith.constant 0 : i32
        %dma_wait3A_42 = tpu.memref_slice %arg4[%multiple_of3A, %dma_wait3A] : memref<1280x128xi32, #tpu.memory_space<hbm>> -> memref<16x128xi32, #tpu.memory_space<hbm>>
        %dma_wait3A_43 = arith.constant 0 : i32
        %dma_wait3A_44 = tpu.memref_slice %arg4[%multiple_of3A, %dma_wait3A_43] : memref<1280x128xi32, #tpu.memory_space<hbm>> -> memref<16x128xi32, #tpu.memory_space<hbm>>
        tpu.wait_dma2 semaphore(%run_scoped3A : memref<!tpu.dma_semaphore, #tpu.memory_space<semaphore_mem>>) src(%dma_wait3A_44 : memref<16x128xi32, #tpu.memory_space<hbm>>) dst(%arg7 : memref<16x128xi32, #tpu.memory_space<vmem>>)
        tpu.yield
      }) : () -> ()
      %dma_start3A = arith.constant 0 : i32
      %dma_start3A_20 = arith.constant 0 : i32
      %dma_start3A_21 = tpu.memref_slice %arg6[%dma_start3A, %dma_start3A_20] : memref<16x128xi32, #tpu.memory_space<vmem>> -> memref<1x128xi32, #tpu.memory_space<vmem>>
      %dma_start3A_22 = tpu.memref_squeeze %dma_start3A_21 : memref<1x128xi32, #tpu.memory_space<vmem>> -> memref<128xi32, #tpu.memory_space<vmem>>
      %dma_start3A_23 = arith.constant 0 : i32
      %dma_start3A_24 = arith.constant 0 : i32
      %dma_start3A_25 = tpu.memref_slice %arg2[%arg0, %dma_start3A_23, %dma_start3A_24] : memref<2x10240x128xf32, #tpu.memory_space<hbm>> -> memref<1x10240x128xf32, #tpu.memory_space<hbm>>
      %dma_start3A_26 = tpu.memref_squeeze %dma_start3A_25 : memref<1x10240x128xf32, #tpu.memory_space<hbm>> -> memref<10240x128xf32, #tpu.memory_space<hbm>>
      %dma_start3A_27 = arith.constant 0 : i32
      %dma_start3A_28 = arith.constant 0 : i32
      %dma_start3A_29 = tpu.memref_slice %dma_start3A_26[%dma_start3A_27, %dma_start3A_28] : memref<10240x128xf32, #tpu.memory_space<hbm>> -> memref<10240x128xf32, #tpu.memory_space<hbm>>
      tpu.enqueue_indirect_dma source(%dma_start3A_29 : memref<10240x128xf32, #tpu.memory_space<hbm>>) target(%arg8 : memref<128x128xf32, #tpu.memory_space<vmem>>) offsets(%dma_start3A_22 : memref<128xi32, #tpu.memory_space<vmem>>) semaphore(%arg10 : memref<!tpu.dma_semaphore, #tpu.memory_space<semaphore_mem>>)
      %scan3A_30 = arith.constant 0 : i32
      %scan3A_31 = arith.constant 0 : i32
      %scan3A_32 = arith.constant 8 : i32
      %scan3A_33 = arith.addi %scan3A_31, %scan3A_32 : i32
      %scan3A_34 = arith.constant 1 : i32
      %scan3A_35 = scf.for %scan3A_38 = %scan3A_31 to %scan3A_33 step %scan3A_34 iter_args(%scan3A_39 = %scan3A_30) -> (i32)  : i32 {
        %mul3A_40 = arith.constant 2 : i32
        %mul3A_41 = arith.muli %scan3A_38, %mul3A_40 : i32
        %add3A_42 = arith.constant 1 : i32
        %add3A_43 = arith.addi %mul3A_41, %add3A_42 : i32
        %dma_start3A_44 = arith.constant 0 : i32
        %dma_start3A_45 = tpu.memref_slice %arg6[%add3A_43, %dma_start3A_44] : memref<16x128xi32, #tpu.memory_space<vmem>> -> memref<1x128xi32, #tpu.memory_space<vmem>>
        %dma_start3A_46 = tpu.memref_squeeze %dma_start3A_45 : memref<1x128xi32, #tpu.memory_space<vmem>> -> memref<128xi32, #tpu.memory_space<vmem>>
        %dma_start3A_47 = arith.constant 0 : i32
        %dma_start3A_48 = arith.constant 0 : i32
        %dma_start3A_49 = tpu.memref_slice %arg2[%arg0, %dma_start3A_47, %dma_start3A_48] : memref<2x10240x128xf32, #tpu.memory_space<hbm>> -> memref<1x10240x128xf32, #tpu.memory_space<hbm>>
        %dma_start3A_50 = tpu.memref_squeeze %dma_start3A_49 : memref<1x10240x128xf32, #tpu.memory_space<hbm>> -> memref<10240x128xf32, #tpu.memory_space<hbm>>
        %dma_start3A_51 = arith.constant 0 : i32
        %dma_start3A_52 = arith.constant 0 : i32
        %dma_start3A_53 = tpu.memref_slice %dma_start3A_50[%dma_start3A_51, %dma_start3A_52] : memref<10240x128xf32, #tpu.memory_space<hbm>> -> memref<10240x128xf32, #tpu.memory_space<hbm>>
        tpu.enqueue_indirect_dma source(%dma_start3A_53 : memref<10240x128xf32, #tpu.memory_space<hbm>>) target(%arg9 : memref<128x128xf32, #tpu.memory_space<vmem>>) offsets(%dma_start3A_46 : memref<128xi32, #tpu.memory_space<vmem>>) semaphore(%arg11 : memref<!tpu.dma_semaphore, #tpu.memory_space<semaphore_mem>>)
        %dma_wait3A = arith.constant 0 : i32
        %dma_wait3A_54 = tpu.memref_slice %arg6[%mul3A_41, %dma_wait3A] : memref<16x128xi32, #tpu.memory_space<vmem>> -> memref<1x128xi32, #tpu.memory_space<vmem>>
        %dma_wait3A_55 = tpu.memref_squeeze %dma_wait3A_54 : memref<1x128xi32, #tpu.memory_space<vmem>> -> memref<128xi32, #tpu.memory_space<vmem>>
        %dma_wait3A_56 = arith.constant 0 : i32
        %dma_wait3A_57 = arith.constant 0 : i32
        %dma_wait3A_58 = tpu.memref_slice %arg2[%arg0, %dma_wait3A_56, %dma_wait3A_57] : memref<2x10240x128xf32, #tpu.memory_space<hbm>> -> memref<1x10240x128xf32, #tpu.memory_space<hbm>>
        %dma_wait3A_59 = tpu.memref_squeeze %dma_wait3A_58 : memref<1x10240x128xf32, #tpu.memory_space<hbm>> -> memref<10240x128xf32, #tpu.memory_space<hbm>>
        %dma_wait3A_60 = arith.constant 0 : i32
        %dma_wait3A_61 = arith.constant 0 : i32
        %dma_wait3A_62 = tpu.memref_slice %dma_wait3A_59[%dma_wait3A_60, %dma_wait3A_61] : memref<10240x128xf32, #tpu.memory_space<hbm>> -> memref<10240x128xf32, #tpu.memory_space<hbm>>
        tpu.wait_indirect_dma semaphore(%arg10 : memref<!tpu.dma_semaphore, #tpu.memory_space<semaphore_mem>>) src(%dma_wait3A_62 : memref<10240x128xf32, #tpu.memory_space<hbm>>) dst(%arg8 : memref<128x128xf32, #tpu.memory_space<vmem>>)
        "tpu.region"() ({
          %run_scoped3A = tpu.sem_alloc : memref<!tpu.dma_semaphore, #tpu.memory_space<semaphore_mem>>
          %dma_start3A_80 = arith.constant 0 : i32
          %dma_start3A_81 = tpu.memref_slice %arg7[%mul3A_41, %dma_start3A_80] : memref<16x128xi32, #tpu.memory_space<vmem>> -> memref<1x128xi32, #tpu.memory_space<vmem>>
          %dma_start3A_82 = tpu.memref_squeeze %dma_start3A_81 : memref<1x128xi32, #tpu.memory_space<vmem>> -> memref<128xi32, #tpu.memory_space<vmem>>
          %dma_start3A_83 = arith.constant 0 : i32
          %dma_start3A_84 = arith.constant 0 : i32
          %dma_start3A_85 = tpu.memref_slice %arg12[%dma_start3A_83, %dma_start3A_84] : memref<10240x128xf32, #tpu.memory_space<vmem_shared>> -> memref<10240x128xf32, #tpu.memory_space<vmem_shared>>
          tpu.enqueue_indirect_dma source(%arg8 : memref<128x128xf32, #tpu.memory_space<vmem>>) target(%dma_start3A_85 : memref<10240x128xf32, #tpu.memory_space<vmem_shared>>) offsets(%dma_start3A_82 : memref<128xi32, #tpu.memory_space<vmem>>) semaphore(%run_scoped3A : memref<!tpu.dma_semaphore, #tpu.memory_space<semaphore_mem>>) {add = true}
          %dma_wait3A_86 = arith.constant 0 : i32
          %dma_wait3A_87 = tpu.memref_slice %arg7[%mul3A_41, %dma_wait3A_86] : memref<16x128xi32, #tpu.memory_space<vmem>> -> memref<1x128xi32, #tpu.memory_space<vmem>>
          %dma_wait3A_88 = tpu.memref_squeeze %dma_wait3A_87 : memref<1x128xi32, #tpu.memory_space<vmem>> -> memref<128xi32, #tpu.memory_space<vmem>>
          %dma_wait3A_89 = arith.constant 0 : i32
          %dma_wait3A_90 = arith.constant 0 : i32
          %dma_wait3A_91 = tpu.memref_slice %arg12[%dma_wait3A_89, %dma_wait3A_90] : memref<10240x128xf32, #tpu.memory_space<vmem_shared>> -> memref<10240x128xf32, #tpu.memory_space<vmem_shared>>
          tpu.wait_indirect_dma semaphore(%run_scoped3A : memref<!tpu.dma_semaphore, #tpu.memory_space<semaphore_mem>>) src(%arg8 : memref<128x128xf32, #tpu.memory_space<vmem>>) dst(%dma_wait3A_91 : memref<10240x128xf32, #tpu.memory_space<vmem_shared>>)
          tpu.yield
        }) : () -> ()
        %add3A_63 = arith.constant 2 : i32
        %add3A_64 = arith.addi %mul3A_41, %add3A_63 : i32
        %lt3A = arith.constant 16 : i32
        %lt3A_65 = arith.cmpi slt, %add3A_64, %lt3A : i32
        %convert_element_type3A = arith.extui %lt3A_65 : i1 to i32
        %cond3A = arith.constant 0 : i32
        %cond3A_66 = arith.cmpi ne, %convert_element_type3A, %cond3A : i32
        scf.if %cond3A_66 {
          %add3A_80 = arith.constant 2 : i32
          %add3A_81 = arith.addi %mul3A_41, %add3A_80 : i32
          %dma_start3A_82 = arith.constant 0 : i32
          %dma_start3A_83 = tpu.memref_slice %arg6[%add3A_81, %dma_start3A_82] : memref<16x128xi32, #tpu.memory_space<vmem>> -> memref<1x128xi32, #tpu.memory_space<vmem>>
          %dma_start3A_84 = tpu.memref_squeeze %dma_start3A_83 : memref<1x128xi32, #tpu.memory_space<vmem>> -> memref<128xi32, #tpu.memory_space<vmem>>
          %dma_start3A_85 = arith.constant 0 : i32
          %dma_start3A_86 = arith.constant 0 : i32
          %dma_start3A_87 = tpu.memref_slice %arg2[%arg0, %dma_start3A_85, %dma_start3A_86] : memref<2x10240x128xf32, #tpu.memory_space<hbm>> -> memref<1x10240x128xf32, #tpu.memory_space<hbm>>
          %dma_start3A_88 = tpu.memref_squeeze %dma_start3A_87 : memref<1x10240x128xf32, #tpu.memory_space<hbm>> -> memref<10240x128xf32, #tpu.memory_space<hbm>>
          %dma_start3A_89 = arith.constant 0 : i32
          %dma_start3A_90 = arith.constant 0 : i32
          %dma_start3A_91 = tpu.memref_slice %dma_start3A_88[%dma_start3A_89, %dma_start3A_90] : memref<10240x128xf32, #tpu.memory_space<hbm>> -> memref<10240x128xf32, #tpu.memory_space<hbm>>
          tpu.enqueue_indirect_dma source(%dma_start3A_91 : memref<10240x128xf32, #tpu.memory_space<hbm>>) target(%arg8 : memref<128x128xf32, #tpu.memory_space<vmem>>) offsets(%dma_start3A_84 : memref<128xi32, #tpu.memory_space<vmem>>) semaphore(%arg10 : memref<!tpu.dma_semaphore, #tpu.memory_space<semaphore_mem>>)
        } else {
        }
        %add3A_67 = arith.constant 1 : i32
        %add3A_68 = arith.addi %mul3A_41, %add3A_67 : i32
        %dma_wait3A_69 = arith.constant 0 : i32
        %dma_wait3A_70 = tpu.memref_slice %arg6[%add3A_68, %dma_wait3A_69] : memref<16x128xi32, #tpu.memory_space<vmem>> -> memref<1x128xi32, #tpu.memory_space<vmem>>
        %dma_wait3A_71 = tpu.memref_squeeze %dma_wait3A_70 : memref<1x128xi32, #tpu.memory_space<vmem>> -> memref<128xi32, #tpu.memory_space<vmem>>
        %dma_wait3A_72 = arith.constant 0 : i32
        %dma_wait3A_73 = arith.constant 0 : i32
        %dma_wait3A_74 = tpu.memref_slice %arg2[%arg0, %dma_wait3A_72, %dma_wait3A_73] : memref<2x10240x128xf32, #tpu.memory_space<hbm>> -> memref<1x10240x128xf32, #tpu.memory_space<hbm>>
        %dma_wait3A_75 = tpu.memref_squeeze %dma_wait3A_74 : memref<1x10240x128xf32, #tpu.memory_space<hbm>> -> memref<10240x128xf32, #tpu.memory_space<hbm>>
        %dma_wait3A_76 = arith.constant 0 : i32
        %dma_wait3A_77 = arith.constant 0 : i32
        %dma_wait3A_78 = tpu.memref_slice %dma_wait3A_75[%dma_wait3A_76, %dma_wait3A_77] : memref<10240x128xf32, #tpu.memory_space<hbm>> -> memref<10240x128xf32, #tpu.memory_space<hbm>>
        tpu.wait_indirect_dma semaphore(%arg11 : memref<!tpu.dma_semaphore, #tpu.memory_space<semaphore_mem>>) src(%dma_wait3A_78 : memref<10240x128xf32, #tpu.memory_space<hbm>>) dst(%arg9 : memref<128x128xf32, #tpu.memory_space<vmem>>)
        "tpu.region"() ({
          %run_scoped3A = tpu.sem_alloc : memref<!tpu.dma_semaphore, #tpu.memory_space<semaphore_mem>>
          %dma_start3A_80 = arith.constant 0 : i32
          %dma_start3A_81 = tpu.memref_slice %arg7[%add3A_68, %dma_start3A_80] : memref<16x128xi32, #tpu.memory_space<vmem>> -> memref<1x128xi32, #tpu.memory_space<vmem>>
          %dma_start3A_82 = tpu.memref_squeeze %dma_start3A_81 : memref<1x128xi32, #tpu.memory_space<vmem>> -> memref<128xi32, #tpu.memory_space<vmem>>
          %dma_start3A_83 = arith.constant 0 : i32
          %dma_start3A_84 = arith.constant 0 : i32
          %dma_start3A_85 = tpu.memref_slice %arg12[%dma_start3A_83, %dma_start3A_84] : memref<10240x128xf32, #tpu.memory_space<vmem_shared>> -> memref<10240x128xf32, #tpu.memory_space<vmem_shared>>
          tpu.enqueue_indirect_dma source(%arg9 : memref<128x128xf32, #tpu.memory_space<vmem>>) target(%dma_start3A_85 : memref<10240x128xf32, #tpu.memory_space<vmem_shared>>) offsets(%dma_start3A_82 : memref<128xi32, #tpu.memory_space<vmem>>) semaphore(%run_scoped3A : memref<!tpu.dma_semaphore, #tpu.memory_space<semaphore_mem>>) {add = true}
          %dma_wait3A_86 = arith.constant 0 : i32
          %dma_wait3A_87 = tpu.memref_slice %arg7[%add3A_68, %dma_wait3A_86] : memref<16x128xi32, #tpu.memory_space<vmem>> -> memref<1x128xi32, #tpu.memory_space<vmem>>
          %dma_wait3A_88 = tpu.memref_squeeze %dma_wait3A_87 : memref<1x128xi32, #tpu.memory_space<vmem>> -> memref<128xi32, #tpu.memory_space<vmem>>
          %dma_wait3A_89 = arith.constant 0 : i32
          %dma_wait3A_90 = arith.constant 0 : i32
          %dma_wait3A_91 = tpu.memref_slice %arg12[%dma_wait3A_89, %dma_wait3A_90] : memref<10240x128xf32, #tpu.memory_space<vmem_shared>> -> memref<10240x128xf32, #tpu.memory_space<vmem_shared>>
          tpu.wait_indirect_dma semaphore(%run_scoped3A : memref<!tpu.dma_semaphore, #tpu.memory_space<semaphore_mem>>) src(%arg9 : memref<128x128xf32, #tpu.memory_space<vmem>>) dst(%dma_wait3A_91 : memref<10240x128xf32, #tpu.memory_space<vmem_shared>>)
          tpu.yield
        }) : () -> ()
        %scan3A_79 = arith.constant 0 : i32
        scf.yield %scan3A_79 : i32
      }
      %scan3A_36 = arith.constant 8 : i32
      %scan3A_37 = arith.constant 0 : i32
      scf.yield %scan3A_37 : i32
    }
    %scan3A_8 = arith.constant 5 : i32
    %barrier3A_9 = arith.constant 0 : index
    tpu.barrier barrier_id(%barrier3A_9)
    %mul3A_10 = arith.constant 640 : i32
    %mul3A_11 = arith.muli %arg1, %mul3A_10 : i32
    %mul3A_12 = arith.constant 640 : i32
    %mul3A_13 = arith.muli %arg1, %mul3A_12 : i32
    "tpu.region"() ({
      %run_scoped3A = tpu.sem_alloc : memref<!tpu.dma_semaphore, #tpu.memory_space<semaphore_mem>>
      %dma_start3A = arith.constant 0 : i32
      %dma_start3A_14 = arith.constant 0 : i32
      %dma_start3A_15 = tpu.memref_slice %arg5[%arg0, %dma_start3A, %dma_start3A_14] : memref<2x10240x128xf32, #tpu.memory_space<hbm>> -> memref<1x10240x128xf32, #tpu.memory_space<hbm>>
      %dma_start3A_16 = tpu.memref_squeeze %dma_start3A_15 : memref<1x10240x128xf32, #tpu.memory_space<hbm>> -> memref<10240x128xf32, #tpu.memory_space<hbm>>
      %dma_start3A_17 = arith.constant 0 : i32
      %dma_start3A_18 = tpu.memref_slice %dma_start3A_16[%mul3A_13, %dma_start3A_17] : memref<10240x128xf32, #tpu.memory_space<hbm>> -> memref<640x128xf32, #tpu.memory_space<hbm>>
      %dma_start3A_19 = arith.constant 0 : i32
      %dma_start3A_20 = tpu.memref_slice %arg12[%mul3A_11, %dma_start3A_19] : memref<10240x128xf32, #tpu.memory_space<vmem_shared>> -> memref<640x128xf32, #tpu.memory_space<vmem_shared>>
      tpu.enqueue_dma source(%dma_start3A_20 : memref<640x128xf32, #tpu.memory_space<vmem_shared>>) target(%dma_start3A_18 : memref<640x128xf32, #tpu.memory_space<hbm>>) target_semaphore(%run_scoped3A : memref<!tpu.dma_semaphore, #tpu.memory_space<semaphore_mem>>)
      %dma_wait3A = arith.constant 0 : i32
      %dma_wait3A_21 = arith.constant 0 : i32
      %dma_wait3A_22 = tpu.memref_slice %arg5[%arg0, %dma_wait3A, %dma_wait3A_21] : memref<2x10240x128xf32, #tpu.memory_space<hbm>> -> memref<1x10240x128xf32, #tpu.memory_space<hbm>>
      %dma_wait3A_23 = tpu.memref_squeeze %dma_wait3A_22 : memref<1x10240x128xf32, #tpu.memory_space<hbm>> -> memref<10240x128xf32, #tpu.memory_space<hbm>>
      %dma_wait3A_24 = arith.constant 0 : i32
      %dma_wait3A_25 = tpu.memref_slice %dma_wait3A_23[%mul3A_13, %dma_wait3A_24] : memref<10240x128xf32, #tpu.memory_space<hbm>> -> memref<640x128xf32, #tpu.memory_space<hbm>>
      %dma_wait3A_26 = arith.constant 0 : i32
      %dma_wait3A_27 = tpu.memref_slice %arg12[%mul3A_11, %dma_wait3A_26] : memref<10240x128xf32, #tpu.memory_space<vmem_shared>> -> memref<640x128xf32, #tpu.memory_space<vmem_shared>>
      tpu.wait_dma2 semaphore(%run_scoped3A : memref<!tpu.dma_semaphore, #tpu.memory_space<semaphore_mem>>) src(%dma_wait3A_27 : memref<640x128xf32, #tpu.memory_space<vmem_shared>>) dst(%dma_wait3A_25 : memref<640x128xf32, #tpu.memory_space<hbm>>)
      tpu.yield
    }) : () -> ()
    return
  }
}

#map = affine_map<(d0, d1) -> (0)>
#map1 = affine_map<(d0, d1) -> (0, 0)>
#map2 = affine_map<(d0, d1) -> (0, 0, 0)>
module attributes {stable_mosaic.version = 14 : i64} {
  func.func @deg_kernel(%arg0: i32, %arg1: i32, %arg2: memref<163840xi32, #tpu.memory_space<hbm>>, %arg3: memref<80x128xf32, #tpu.memory_space<hbm>>, %arg4: memref<32x80x128xf32, #tpu.memory_space<hbm>>, %arg5: memref<1280xi32, #tpu.memory_space<vmem>>, %arg6: memref<80x128xf32, #tpu.memory_space<vmem>>) attributes {dimension_semantics = [#tpu.dimension_semantics<core_parallel>, #tpu.dimension_semantics<subcore_parallel>], iteration_bounds = array<i64: 2, 16>, scalar_prefetch = 0 : i64, scratch_operands = 2 : i64, tpu.core_type = #tpu.core_type<sc_vector_subcore>, window_params = [{transform_indices = #map}, {transform_indices = #map1}, {transform_indices = #map2}]} {
    %mul3A = arith.constant 16 : i32
    %mul3A_0 = arith.muli %arg0, %mul3A : i32
    %add3A = arith.addi %mul3A_0, %arg1 : i32
    "tpu.region"() ({
      %run_scoped3A = tpu.sem_alloc : memref<!tpu.dma_semaphore, #tpu.memory_space<semaphore_mem>>
      tpu.enqueue_dma source(%arg3 : memref<80x128xf32, #tpu.memory_space<hbm>>) target(%arg6 : memref<80x128xf32, #tpu.memory_space<vmem>>) target_semaphore(%run_scoped3A : memref<!tpu.dma_semaphore, #tpu.memory_space<semaphore_mem>>)
      tpu.wait_dma2 semaphore(%run_scoped3A : memref<!tpu.dma_semaphore, #tpu.memory_space<semaphore_mem>>) src(%arg3 : memref<80x128xf32, #tpu.memory_space<hbm>>) dst(%arg6 : memref<80x128xf32, #tpu.memory_space<vmem>>)
      tpu.yield
    }) : () -> ()
    %broadcast_in_dim3A = arith.constant 1.000000e+00 : f32
    %broadcast_in_dim3A_1 = vector.broadcast %broadcast_in_dim3A : f32 to vector<16xf32>
    %scan3A = arith.constant 0 : i32
    %scan3A_2 = arith.constant 0 : i32
    %scan3A_3 = arith.constant 4 : i32
    %scan3A_4 = arith.addi %scan3A_2, %scan3A_3 : i32
    %scan3A_5 = arith.constant 1 : i32
    %scan3A_6 = scf.for %scan3A_8 = %scan3A_2 to %scan3A_4 step %scan3A_5 iter_args(%scan3A_9 = %scan3A) -> (i32)  : i32 {
      %mul3A_10 = arith.constant 5120 : i32
      %mul3A_11 = arith.muli %add3A, %mul3A_10 : i32
      %mul3A_12 = arith.constant 1280 : i32
      %mul3A_13 = arith.muli %scan3A_8, %mul3A_12 : i32
      %add3A_14 = arith.addi %mul3A_11, %mul3A_13 : i32
      %multiple_of3A = tpu.assume_multiple %add3A_14, 8 : i32
      "tpu.region"() ({
        %run_scoped3A = tpu.sem_alloc : memref<!tpu.dma_semaphore, #tpu.memory_space<semaphore_mem>>
        %dma_start3A = tpu.memref_slice %arg2[%multiple_of3A] : memref<163840xi32, #tpu.memory_space<hbm>> -> memref<1280xi32, #tpu.memory_space<hbm>>
        %dma_start3A_23 = tpu.memref_slice %arg2[%multiple_of3A] : memref<163840xi32, #tpu.memory_space<hbm>> -> memref<1280xi32, #tpu.memory_space<hbm>>
        tpu.enqueue_dma source(%dma_start3A_23 : memref<1280xi32, #tpu.memory_space<hbm>>) target(%arg5 : memref<1280xi32, #tpu.memory_space<vmem>>) target_semaphore(%run_scoped3A : memref<!tpu.dma_semaphore, #tpu.memory_space<semaphore_mem>>)
        %dma_wait3A = tpu.memref_slice %arg2[%multiple_of3A] : memref<163840xi32, #tpu.memory_space<hbm>> -> memref<1280xi32, #tpu.memory_space<hbm>>
        %dma_wait3A_24 = tpu.memref_slice %arg2[%multiple_of3A] : memref<163840xi32, #tpu.memory_space<hbm>> -> memref<1280xi32, #tpu.memory_space<hbm>>
        tpu.wait_dma2 semaphore(%run_scoped3A : memref<!tpu.dma_semaphore, #tpu.memory_space<semaphore_mem>>) src(%dma_wait3A_24 : memref<1280xi32, #tpu.memory_space<hbm>>) dst(%arg5 : memref<1280xi32, #tpu.memory_space<vmem>>)
        tpu.yield
      }) : () -> ()
      %scan3A_15 = arith.constant 0 : i32
      %scan3A_16 = arith.constant 0 : i32
      %scan3A_17 = arith.constant 80 : i32
      %scan3A_18 = arith.addi %scan3A_16, %scan3A_17 : i32
      %scan3A_19 = arith.constant 1 : i32
      %scan3A_20 = scf.for %scan3A_23 = %scan3A_16 to %scan3A_18 step %scan3A_19 iter_args(%scan3A_24 = %scan3A_15) -> (i32)  : i32 {
        %mul3A_25 = arith.constant 16 : i32
        %mul3A_26 = arith.muli %scan3A_23, %mul3A_25 : i32
        %get3A = arith.index_cast %mul3A_26 : i32 to index
        %get3A_27 = tpu.vector_load %arg5[%get3A] {strides = array<i32>} : memref<1280xi32, #tpu.memory_space<vmem>>, vector<16xi32>,
        %shift_right_logical3A = arith.constant 7 : i32
        %shift_right_logical3A_28 = vector.broadcast %shift_right_logical3A : i32 to vector<16xi32>
        %shift_right_logical3A_29 = arith.shrui %get3A_27, %shift_right_logical3A_28 : vector<16xi32>
        %and3A = arith.constant 127 : i32
        %and3A_30 = vector.broadcast %and3A : i32 to vector<16xi32>
        %and3A_31 = arith.andi %get3A_27, %and3A_30 : vector<16xi32>
        tpu.vector_store_idx %arg6[%shift_right_logical3A_29, %and3A_31], %broadcast_in_dim3A_1 {add = true} : memref<80x128xf32, #tpu.memory_space<vmem>>[vector<16xi32>, vector<16xi32>], vector<16xf32>,
        %scan3A_32 = arith.constant 0 : i32
        scf.yield %scan3A_32 : i32
      }
      %scan3A_21 = arith.constant 80 : i32
      %scan3A_22 = arith.constant 0 : i32
      scf.yield %scan3A_22 : i32
    }
    %scan3A_7 = arith.constant 4 : i32
    "tpu.region"() ({
      %run_scoped3A = tpu.sem_alloc : memref<!tpu.dma_semaphore, #tpu.memory_space<semaphore_mem>>
      %dma_start3A = arith.constant 0 : i32
      %dma_start3A_8 = arith.constant 0 : i32
      %dma_start3A_9 = tpu.memref_slice %arg4[%add3A, %dma_start3A, %dma_start3A_8] : memref<32x80x128xf32, #tpu.memory_space<hbm>> -> memref<1x80x128xf32, #tpu.memory_space<hbm>>
      %dma_start3A_10 = tpu.memref_squeeze %dma_start3A_9 : memref<1x80x128xf32, #tpu.memory_space<hbm>> -> memref<80x128xf32, #tpu.memory_space<hbm>>
      %dma_start3A_11 = arith.constant 0 : i32
      %dma_start3A_12 = arith.constant 0 : i32
      %dma_start3A_13 = tpu.memref_slice %arg4[%add3A, %dma_start3A_11, %dma_start3A_12] : memref<32x80x128xf32, #tpu.memory_space<hbm>> -> memref<1x80x128xf32, #tpu.memory_space<hbm>>
      %dma_start3A_14 = tpu.memref_squeeze %dma_start3A_13 : memref<1x80x128xf32, #tpu.memory_space<hbm>> -> memref<80x128xf32, #tpu.memory_space<hbm>>
      tpu.enqueue_dma source(%arg6 : memref<80x128xf32, #tpu.memory_space<vmem>>) target(%dma_start3A_14 : memref<80x128xf32, #tpu.memory_space<hbm>>) target_semaphore(%run_scoped3A : memref<!tpu.dma_semaphore, #tpu.memory_space<semaphore_mem>>)
      %dma_wait3A = arith.constant 0 : i32
      %dma_wait3A_15 = arith.constant 0 : i32
      %dma_wait3A_16 = tpu.memref_slice %arg4[%add3A, %dma_wait3A, %dma_wait3A_15] : memref<32x80x128xf32, #tpu.memory_space<hbm>> -> memref<1x80x128xf32, #tpu.memory_space<hbm>>
      %dma_wait3A_17 = tpu.memref_squeeze %dma_wait3A_16 : memref<1x80x128xf32, #tpu.memory_space<hbm>> -> memref<80x128xf32, #tpu.memory_space<hbm>>
      %dma_wait3A_18 = arith.constant 0 : i32
      %dma_wait3A_19 = arith.constant 0 : i32
      %dma_wait3A_20 = tpu.memref_slice %arg4[%add3A, %dma_wait3A_18, %dma_wait3A_19] : memref<32x80x128xf32, #tpu.memory_space<hbm>> -> memref<1x80x128xf32, #tpu.memory_space<hbm>>
      %dma_wait3A_21 = tpu.memref_squeeze %dma_wait3A_20 : memref<1x80x128xf32, #tpu.memory_space<hbm>> -> memref<80x128xf32, #tpu.memory_space<hbm>>
      tpu.wait_dma2 semaphore(%run_scoped3A : memref<!tpu.dma_semaphore, #tpu.memory_space<semaphore_mem>>) src(%arg6 : memref<80x128xf32, #tpu.memory_space<vmem>>) dst(%dma_wait3A_21 : memref<80x128xf32, #tpu.memory_space<hbm>>)
      tpu.yield
    }) : () -> ()
    return
  }
}

#map = affine_map<(d0, d1) -> (0, 0, 0)>
#map1 = affine_map<(d0, d1) -> (0, 0)>
module attributes {stable_mosaic.version = 14 : i64} {
  func.func @agg_kernel(%arg0: i32, %arg1: i32, %arg2: memref<2x10240x128xf32, #tpu.memory_space<hbm>>, %arg3: memref<1280x128xi32, #tpu.memory_space<hbm>>, %arg4: memref<1280x128xi32, #tpu.memory_space<hbm>>, %arg5: memref<2x10240x128xf32, #tpu.memory_space<hbm>>, %arg6: memref<16x128xi32, #tpu.memory_space<vmem>>, %arg7: memref<16x128xi32, #tpu.memory_space<vmem>>, %arg8: memref<128x128xf32, #tpu.memory_space<vmem>>, %arg9: memref<128x128xf32, #tpu.memory_space<vmem>>, %arg10: memref<!tpu.dma_semaphore, #tpu.memory_space<semaphore_mem>>, %arg11: memref<!tpu.dma_semaphore, #tpu.memory_space<semaphore_mem>>, %arg12: memref<10240x128xf32, #tpu.memory_space<vmem_shared>>) attributes {dimension_semantics = [#tpu.dimension_semantics<core_parallel>, #tpu.dimension_semantics<subcore_parallel>], iteration_bounds = array<i64: 2, 16>, scalar_prefetch = 0 : i64, scratch_operands = 7 : i64, tpu.core_type = #tpu.core_type<sc_vector_subcore>, window_params = [{transform_indices = #map}, {transform_indices = #map1}, {transform_indices = #map1}, {transform_indices = #map}]} {
    %mul3A = arith.constant 640 : i32
    %mul3A_0 = arith.muli %arg1, %mul3A : i32
    %mul3A_1 = arith.constant 640 : i32
    %mul3A_2 = arith.muli %arg1, %mul3A_1 : i32
    "tpu.region"() ({
      %run_scoped3A = tpu.sem_alloc : memref<!tpu.dma_semaphore, #tpu.memory_space<semaphore_mem>>
      %dma_start3A = arith.constant 0 : i32
      %dma_start3A_14 = tpu.memref_slice %arg12[%mul3A_2, %dma_start3A] : memref<10240x128xf32, #tpu.memory_space<vmem_shared>> -> memref<640x128xf32, #tpu.memory_space<vmem_shared>>
      %dma_start3A_15 = arith.constant 0 : i32
      %dma_start3A_16 = arith.constant 0 : i32
      %dma_start3A_17 = tpu.memref_slice %arg2[%arg0, %dma_start3A_15, %dma_start3A_16] : memref<2x10240x128xf32, #tpu.memory_space<hbm>> -> memref<1x10240x128xf32, #tpu.memory_space<hbm>>
      %dma_start3A_18 = tpu.memref_squeeze %dma_start3A_17 : memref<1x10240x128xf32, #tpu.memory_space<hbm>> -> memref<10240x128xf32, #tpu.memory_space<hbm>>
      %dma_start3A_19 = arith.constant 0 : i32
      %dma_start3A_20 = tpu.memref_slice %dma_start3A_18[%mul3A_0, %dma_start3A_19] : memref<10240x128xf32, #tpu.memory_space<hbm>> -> memref<640x128xf32, #tpu.memory_space<hbm>>
      tpu.enqueue_dma source(%dma_start3A_20 : memref<640x128xf32, #tpu.memory_space<hbm>>) target(%dma_start3A_14 : memref<640x128xf32, #tpu.memory_space<vmem_shared>>) target_semaphore(%run_scoped3A : memref<!tpu.dma_semaphore, #tpu.memory_space<semaphore_mem>>)
      %dma_wait3A = arith.constant 0 : i32
      %dma_wait3A_21 = tpu.memref_slice %arg12[%mul3A_2, %dma_wait3A] : memref<10240x128xf32, #tpu.memory_space<vmem_shared>> -> memref<640x128xf32, #tpu.memory_space<vmem_shared>>
      %dma_wait3A_22 = arith.constant 0 : i32
      %dma_wait3A_23 = arith.constant 0 : i32
      %dma_wait3A_24 = tpu.memref_slice %arg2[%arg0, %dma_wait3A_22, %dma_wait3A_23] : memref<2x10240x128xf32, #tpu.memory_space<hbm>> -> memref<1x10240x128xf32, #tpu.memory_space<hbm>>
      %dma_wait3A_25 = tpu.memref_squeeze %dma_wait3A_24 : memref<1x10240x128xf32, #tpu.memory_space<hbm>> -> memref<10240x128xf32, #tpu.memory_space<hbm>>
      %dma_wait3A_26 = arith.constant 0 : i32
      %dma_wait3A_27 = tpu.memref_slice %dma_wait3A_25[%mul3A_0, %dma_wait3A_26] : memref<10240x128xf32, #tpu.memory_space<hbm>> -> memref<640x128xf32, #tpu.memory_space<hbm>>
      tpu.wait_dma2 semaphore(%run_scoped3A : memref<!tpu.dma_semaphore, #tpu.memory_space<semaphore_mem>>) src(%dma_wait3A_27 : memref<640x128xf32, #tpu.memory_space<hbm>>) dst(%dma_wait3A_21 : memref<640x128xf32, #tpu.memory_space<vmem_shared>>)
      tpu.yield
    }) : () -> ()
    %barrier3A = arith.constant 0 : index
    tpu.barrier barrier_id(%barrier3A)
    %scan3A = arith.constant 0 : i32
    %scan3A_3 = arith.constant 0 : i32
    %scan3A_4 = arith.constant 5 : i32
    %scan3A_5 = arith.addi %scan3A_3, %scan3A_4 : i32
    %scan3A_6 = arith.constant 1 : i32
    %scan3A_7 = scf.for %scan3A_14 = %scan3A_3 to %scan3A_5 step %scan3A_6 iter_args(%scan3A_15 = %scan3A) -> (i32)  : i32 {
      %mul3A_16 = arith.constant 80 : i32
      %mul3A_17 = arith.muli %arg1, %mul3A_16 : i32
      %mul3A_18 = arith.constant 16 : i32
      %mul3A_19 = arith.muli %scan3A_14, %mul3A_18 : i32
      %add3A = arith.addi %mul3A_17, %mul3A_19 : i32
      %multiple_of3A = tpu.assume_multiple %add3A, 8 : i32
      "tpu.region"() ({
        %run_scoped3A = tpu.sem_alloc : memref<!tpu.dma_semaphore, #tpu.memory_space<semaphore_mem>>
        %dma_start3A_38 = arith.constant 0 : i32
        %dma_start3A_39 = tpu.memref_slice %arg3[%multiple_of3A, %dma_start3A_38] : memref<1280x128xi32, #tpu.memory_space<hbm>> -> memref<16x128xi32, #tpu.memory_space<hbm>>
        %dma_start3A_40 = arith.constant 0 : i32
        %dma_start3A_41 = tpu.memref_slice %arg3[%multiple_of3A, %dma_start3A_40] : memref<1280x128xi32, #tpu.memory_space<hbm>> -> memref<16x128xi32, #tpu.memory_space<hbm>>
        tpu.enqueue_dma source(%dma_start3A_41 : memref<16x128xi32, #tpu.memory_space<hbm>>) target(%arg6 : memref<16x128xi32, #tpu.memory_space<vmem>>) target_semaphore(%run_scoped3A : memref<!tpu.dma_semaphore, #tpu.memory_space<semaphore_mem>>)
        %dma_wait3A = arith.constant 0 : i32
        %dma_wait3A_42 = tpu.memref_slice %arg3[%multiple_of3A, %dma_wait3A] : memref<1280x128xi32, #tpu.memory_space<hbm>> -> memref<16x128xi32, #tpu.memory_space<hbm>>
        %dma_wait3A_43 = arith.constant 0 : i32
        %dma_wait3A_44 = tpu.memref_slice %arg3[%multiple_of3A, %dma_wait3A_43] : memref<1280x128xi32, #tpu.memory_space<hbm>> -> memref<16x128xi32, #tpu.memory_space<hbm>>
        tpu.wait_dma2 semaphore(%run_scoped3A : memref<!tpu.dma_semaphore, #tpu.memory_space<semaphore_mem>>) src(%dma_wait3A_44 : memref<16x128xi32, #tpu.memory_space<hbm>>) dst(%arg6 : memref<16x128xi32, #tpu.memory_space<vmem>>)
        tpu.yield
      }) : () -> ()
      "tpu.region"() ({
        %run_scoped3A = tpu.sem_alloc : memref<!tpu.dma_semaphore, #tpu.memory_space<semaphore_mem>>
        %dma_start3A_38 = arith.constant 0 : i32
        %dma_start3A_39 = tpu.memref_slice %arg4[%multiple_of3A, %dma_start3A_38] : memref<1280x128xi32, #tpu.memory_space<hbm>> -> memref<16x128xi32, #tpu.memory_space<hbm>>
        %dma_start3A_40 = arith.constant 0 : i32
        %dma_start3A_41 = tpu.memref_slice %arg4[%multiple_of3A, %dma_start3A_40] : memref<1280x128xi32, #tpu.memory_space<hbm>> -> memref<16x128xi32, #tpu.memory_space<hbm>>
        tpu.enqueue_dma source(%dma_start3A_41 : memref<16x128xi32, #tpu.memory_space<hbm>>) target(%arg7 : memref<16x128xi32, #tpu.memory_space<vmem>>) target_semaphore(%run_scoped3A : memref<!tpu.dma_semaphore, #tpu.memory_space<semaphore_mem>>)
        %dma_wait3A = arith.constant 0 : i32
        %dma_wait3A_42 = tpu.memref_slice %arg4[%multiple_of3A, %dma_wait3A] : memref<1280x128xi32, #tpu.memory_space<hbm>> -> memref<16x128xi32, #tpu.memory_space<hbm>>
        %dma_wait3A_43 = arith.constant 0 : i32
        %dma_wait3A_44 = tpu.memref_slice %arg4[%multiple_of3A, %dma_wait3A_43] : memref<1280x128xi32, #tpu.memory_space<hbm>> -> memref<16x128xi32, #tpu.memory_space<hbm>>
        tpu.wait_dma2 semaphore(%run_scoped3A : memref<!tpu.dma_semaphore, #tpu.memory_space<semaphore_mem>>) src(%dma_wait3A_44 : memref<16x128xi32, #tpu.memory_space<hbm>>) dst(%arg7 : memref<16x128xi32, #tpu.memory_space<vmem>>)
        tpu.yield
      }) : () -> ()
      %dma_start3A = arith.constant 0 : i32
      %dma_start3A_20 = arith.constant 0 : i32
      %dma_start3A_21 = tpu.memref_slice %arg6[%dma_start3A, %dma_start3A_20] : memref<16x128xi32, #tpu.memory_space<vmem>> -> memref<1x128xi32, #tpu.memory_space<vmem>>
      %dma_start3A_22 = tpu.memref_squeeze %dma_start3A_21 : memref<1x128xi32, #tpu.memory_space<vmem>> -> memref<128xi32, #tpu.memory_space<vmem>>
      %dma_start3A_23 = arith.constant 0 : i32
      %dma_start3A_24 = arith.constant 0 : i32
      %dma_start3A_25 = tpu.memref_slice %arg2[%arg0, %dma_start3A_23, %dma_start3A_24] : memref<2x10240x128xf32, #tpu.memory_space<hbm>> -> memref<1x10240x128xf32, #tpu.memory_space<hbm>>
      %dma_start3A_26 = tpu.memref_squeeze %dma_start3A_25 : memref<1x10240x128xf32, #tpu.memory_space<hbm>> -> memref<10240x128xf32, #tpu.memory_space<hbm>>
      %dma_start3A_27 = arith.constant 0 : i32
      %dma_start3A_28 = arith.constant 0 : i32
      %dma_start3A_29 = tpu.memref_slice %dma_start3A_26[%dma_start3A_27, %dma_start3A_28] : memref<10240x128xf32, #tpu.memory_space<hbm>> -> memref<10240x128xf32, #tpu.memory_space<hbm>>
      tpu.enqueue_indirect_dma source(%dma_start3A_29 : memref<10240x128xf32, #tpu.memory_space<hbm>>) target(%arg8 : memref<128x128xf32, #tpu.memory_space<vmem>>) offsets(%dma_start3A_22 : memref<128xi32, #tpu.memory_space<vmem>>) semaphore(%arg10 : memref<!tpu.dma_semaphore, #tpu.memory_space<semaphore_mem>>)
      %scan3A_30 = arith.constant 0 : i32
      %scan3A_31 = arith.constant 0 : i32
      %scan3A_32 = arith.constant 8 : i32
      %scan3A_33 = arith.addi %scan3A_31, %scan3A_32 : i32
      %scan3A_34 = arith.constant 1 : i32
      %scan3A_35 = scf.for %scan3A_38 = %scan3A_31 to %scan3A_33 step %scan3A_34 iter_args(%scan3A_39 = %scan3A_30) -> (i32)  : i32 {
        %mul3A_40 = arith.constant 2 : i32
        %mul3A_41 = arith.muli %scan3A_38, %mul3A_40 : i32
        %add3A_42 = arith.constant 1 : i32
        %add3A_43 = arith.addi %mul3A_41, %add3A_42 : i32
        %dma_start3A_44 = arith.constant 0 : i32
        %dma_start3A_45 = tpu.memref_slice %arg6[%add3A_43, %dma_start3A_44] : memref<16x128xi32, #tpu.memory_space<vmem>> -> memref<1x128xi32, #tpu.memory_space<vmem>>
        %dma_start3A_46 = tpu.memref_squeeze %dma_start3A_45 : memref<1x128xi32, #tpu.memory_space<vmem>> -> memref<128xi32, #tpu.memory_space<vmem>>
        %dma_start3A_47 = arith.constant 0 : i32
        %dma_start3A_48 = arith.constant 0 : i32
        %dma_start3A_49 = tpu.memref_slice %arg2[%arg0, %dma_start3A_47, %dma_start3A_48] : memref<2x10240x128xf32, #tpu.memory_space<hbm>> -> memref<1x10240x128xf32, #tpu.memory_space<hbm>>
        %dma_start3A_50 = tpu.memref_squeeze %dma_start3A_49 : memref<1x10240x128xf32, #tpu.memory_space<hbm>> -> memref<10240x128xf32, #tpu.memory_space<hbm>>
        %dma_start3A_51 = arith.constant 0 : i32
        %dma_start3A_52 = arith.constant 0 : i32
        %dma_start3A_53 = tpu.memref_slice %dma_start3A_50[%dma_start3A_51, %dma_start3A_52] : memref<10240x128xf32, #tpu.memory_space<hbm>> -> memref<10240x128xf32, #tpu.memory_space<hbm>>
        tpu.enqueue_indirect_dma source(%dma_start3A_53 : memref<10240x128xf32, #tpu.memory_space<hbm>>) target(%arg9 : memref<128x128xf32, #tpu.memory_space<vmem>>) offsets(%dma_start3A_46 : memref<128xi32, #tpu.memory_space<vmem>>) semaphore(%arg11 : memref<!tpu.dma_semaphore, #tpu.memory_space<semaphore_mem>>)
        %dma_wait3A = arith.constant 0 : i32
        %dma_wait3A_54 = tpu.memref_slice %arg6[%mul3A_41, %dma_wait3A] : memref<16x128xi32, #tpu.memory_space<vmem>> -> memref<1x128xi32, #tpu.memory_space<vmem>>
        %dma_wait3A_55 = tpu.memref_squeeze %dma_wait3A_54 : memref<1x128xi32, #tpu.memory_space<vmem>> -> memref<128xi32, #tpu.memory_space<vmem>>
        %dma_wait3A_56 = arith.constant 0 : i32
        %dma_wait3A_57 = arith.constant 0 : i32
        %dma_wait3A_58 = tpu.memref_slice %arg2[%arg0, %dma_wait3A_56, %dma_wait3A_57] : memref<2x10240x128xf32, #tpu.memory_space<hbm>> -> memref<1x10240x128xf32, #tpu.memory_space<hbm>>
        %dma_wait3A_59 = tpu.memref_squeeze %dma_wait3A_58 : memref<1x10240x128xf32, #tpu.memory_space<hbm>> -> memref<10240x128xf32, #tpu.memory_space<hbm>>
        %dma_wait3A_60 = arith.constant 0 : i32
        %dma_wait3A_61 = arith.constant 0 : i32
        %dma_wait3A_62 = tpu.memref_slice %dma_wait3A_59[%dma_wait3A_60, %dma_wait3A_61] : memref<10240x128xf32, #tpu.memory_space<hbm>> -> memref<10240x128xf32, #tpu.memory_space<hbm>>
        tpu.wait_indirect_dma semaphore(%arg10 : memref<!tpu.dma_semaphore, #tpu.memory_space<semaphore_mem>>) src(%dma_wait3A_62 : memref<10240x128xf32, #tpu.memory_space<hbm>>) dst(%arg8 : memref<128x128xf32, #tpu.memory_space<vmem>>)
        "tpu.region"() ({
          %run_scoped3A = tpu.sem_alloc : memref<!tpu.dma_semaphore, #tpu.memory_space<semaphore_mem>>
          %dma_start3A_80 = arith.constant 0 : i32
          %dma_start3A_81 = tpu.memref_slice %arg7[%mul3A_41, %dma_start3A_80] : memref<16x128xi32, #tpu.memory_space<vmem>> -> memref<1x128xi32, #tpu.memory_space<vmem>>
          %dma_start3A_82 = tpu.memref_squeeze %dma_start3A_81 : memref<1x128xi32, #tpu.memory_space<vmem>> -> memref<128xi32, #tpu.memory_space<vmem>>
          %dma_start3A_83 = arith.constant 0 : i32
          %dma_start3A_84 = arith.constant 0 : i32
          %dma_start3A_85 = tpu.memref_slice %arg12[%dma_start3A_83, %dma_start3A_84] : memref<10240x128xf32, #tpu.memory_space<vmem_shared>> -> memref<10240x128xf32, #tpu.memory_space<vmem_shared>>
          tpu.enqueue_indirect_dma source(%arg8 : memref<128x128xf32, #tpu.memory_space<vmem>>) target(%dma_start3A_85 : memref<10240x128xf32, #tpu.memory_space<vmem_shared>>) offsets(%dma_start3A_82 : memref<128xi32, #tpu.memory_space<vmem>>) semaphore(%run_scoped3A : memref<!tpu.dma_semaphore, #tpu.memory_space<semaphore_mem>>) {add = true}
          %dma_wait3A_86 = arith.constant 0 : i32
          %dma_wait3A_87 = tpu.memref_slice %arg7[%mul3A_41, %dma_wait3A_86] : memref<16x128xi32, #tpu.memory_space<vmem>> -> memref<1x128xi32, #tpu.memory_space<vmem>>
          %dma_wait3A_88 = tpu.memref_squeeze %dma_wait3A_87 : memref<1x128xi32, #tpu.memory_space<vmem>> -> memref<128xi32, #tpu.memory_space<vmem>>
          %dma_wait3A_89 = arith.constant 0 : i32
          %dma_wait3A_90 = arith.constant 0 : i32
          %dma_wait3A_91 = tpu.memref_slice %arg12[%dma_wait3A_89, %dma_wait3A_90] : memref<10240x128xf32, #tpu.memory_space<vmem_shared>> -> memref<10240x128xf32, #tpu.memory_space<vmem_shared>>
          tpu.wait_indirect_dma semaphore(%run_scoped3A : memref<!tpu.dma_semaphore, #tpu.memory_space<semaphore_mem>>) src(%arg8 : memref<128x128xf32, #tpu.memory_space<vmem>>) dst(%dma_wait3A_91 : memref<10240x128xf32, #tpu.memory_space<vmem_shared>>)
          tpu.yield
        }) : () -> ()
        %add3A_63 = arith.constant 2 : i32
        %add3A_64 = arith.addi %mul3A_41, %add3A_63 : i32
        %lt3A = arith.constant 16 : i32
        %lt3A_65 = arith.cmpi slt, %add3A_64, %lt3A : i32
        %convert_element_type3A = arith.extui %lt3A_65 : i1 to i32
        %cond3A = arith.constant 0 : i32
        %cond3A_66 = arith.cmpi ne, %convert_element_type3A, %cond3A : i32
        scf.if %cond3A_66 {
          %add3A_80 = arith.constant 2 : i32
          %add3A_81 = arith.addi %mul3A_41, %add3A_80 : i32
          %dma_start3A_82 = arith.constant 0 : i32
          %dma_start3A_83 = tpu.memref_slice %arg6[%add3A_81, %dma_start3A_82] : memref<16x128xi32, #tpu.memory_space<vmem>> -> memref<1x128xi32, #tpu.memory_space<vmem>>
          %dma_start3A_84 = tpu.memref_squeeze %dma_start3A_83 : memref<1x128xi32, #tpu.memory_space<vmem>> -> memref<128xi32, #tpu.memory_space<vmem>>
          %dma_start3A_85 = arith.constant 0 : i32
          %dma_start3A_86 = arith.constant 0 : i32
          %dma_start3A_87 = tpu.memref_slice %arg2[%arg0, %dma_start3A_85, %dma_start3A_86] : memref<2x10240x128xf32, #tpu.memory_space<hbm>> -> memref<1x10240x128xf32, #tpu.memory_space<hbm>>
          %dma_start3A_88 = tpu.memref_squeeze %dma_start3A_87 : memref<1x10240x128xf32, #tpu.memory_space<hbm>> -> memref<10240x128xf32, #tpu.memory_space<hbm>>
          %dma_start3A_89 = arith.constant 0 : i32
          %dma_start3A_90 = arith.constant 0 : i32
          %dma_start3A_91 = tpu.memref_slice %dma_start3A_88[%dma_start3A_89, %dma_start3A_90] : memref<10240x128xf32, #tpu.memory_space<hbm>> -> memref<10240x128xf32, #tpu.memory_space<hbm>>
          tpu.enqueue_indirect_dma source(%dma_start3A_91 : memref<10240x128xf32, #tpu.memory_space<hbm>>) target(%arg8 : memref<128x128xf32, #tpu.memory_space<vmem>>) offsets(%dma_start3A_84 : memref<128xi32, #tpu.memory_space<vmem>>) semaphore(%arg10 : memref<!tpu.dma_semaphore, #tpu.memory_space<semaphore_mem>>)
        } else {
        }
        %add3A_67 = arith.constant 1 : i32
        %add3A_68 = arith.addi %mul3A_41, %add3A_67 : i32
        %dma_wait3A_69 = arith.constant 0 : i32
        %dma_wait3A_70 = tpu.memref_slice %arg6[%add3A_68, %dma_wait3A_69] : memref<16x128xi32, #tpu.memory_space<vmem>> -> memref<1x128xi32, #tpu.memory_space<vmem>>
        %dma_wait3A_71 = tpu.memref_squeeze %dma_wait3A_70 : memref<1x128xi32, #tpu.memory_space<vmem>> -> memref<128xi32, #tpu.memory_space<vmem>>
        %dma_wait3A_72 = arith.constant 0 : i32
        %dma_wait3A_73 = arith.constant 0 : i32
        %dma_wait3A_74 = tpu.memref_slice %arg2[%arg0, %dma_wait3A_72, %dma_wait3A_73] : memref<2x10240x128xf32, #tpu.memory_space<hbm>> -> memref<1x10240x128xf32, #tpu.memory_space<hbm>>
        %dma_wait3A_75 = tpu.memref_squeeze %dma_wait3A_74 : memref<1x10240x128xf32, #tpu.memory_space<hbm>> -> memref<10240x128xf32, #tpu.memory_space<hbm>>
        %dma_wait3A_76 = arith.constant 0 : i32
        %dma_wait3A_77 = arith.constant 0 : i32
        %dma_wait3A_78 = tpu.memref_slice %dma_wait3A_75[%dma_wait3A_76, %dma_wait3A_77] : memref<10240x128xf32, #tpu.memory_space<hbm>> -> memref<10240x128xf32, #tpu.memory_space<hbm>>
        tpu.wait_indirect_dma semaphore(%arg11 : memref<!tpu.dma_semaphore, #tpu.memory_space<semaphore_mem>>) src(%dma_wait3A_78 : memref<10240x128xf32, #tpu.memory_space<hbm>>) dst(%arg9 : memref<128x128xf32, #tpu.memory_space<vmem>>)
        "tpu.region"() ({
          %run_scoped3A = tpu.sem_alloc : memref<!tpu.dma_semaphore, #tpu.memory_space<semaphore_mem>>
          %dma_start3A_80 = arith.constant 0 : i32
          %dma_start3A_81 = tpu.memref_slice %arg7[%add3A_68, %dma_start3A_80] : memref<16x128xi32, #tpu.memory_space<vmem>> -> memref<1x128xi32, #tpu.memory_space<vmem>>
          %dma_start3A_82 = tpu.memref_squeeze %dma_start3A_81 : memref<1x128xi32, #tpu.memory_space<vmem>> -> memref<128xi32, #tpu.memory_space<vmem>>
          %dma_start3A_83 = arith.constant 0 : i32
          %dma_start3A_84 = arith.constant 0 : i32
          %dma_start3A_85 = tpu.memref_slice %arg12[%dma_start3A_83, %dma_start3A_84] : memref<10240x128xf32, #tpu.memory_space<vmem_shared>> -> memref<10240x128xf32, #tpu.memory_space<vmem_shared>>
          tpu.enqueue_indirect_dma source(%arg9 : memref<128x128xf32, #tpu.memory_space<vmem>>) target(%dma_start3A_85 : memref<10240x128xf32, #tpu.memory_space<vmem_shared>>) offsets(%dma_start3A_82 : memref<128xi32, #tpu.memory_space<vmem>>) semaphore(%run_scoped3A : memref<!tpu.dma_semaphore, #tpu.memory_space<semaphore_mem>>) {add = true}
          %dma_wait3A_86 = arith.constant 0 : i32
          %dma_wait3A_87 = tpu.memref_slice %arg7[%add3A_68, %dma_wait3A_86] : memref<16x128xi32, #tpu.memory_space<vmem>> -> memref<1x128xi32, #tpu.memory_space<vmem>>
          %dma_wait3A_88 = tpu.memref_squeeze %dma_wait3A_87 : memref<1x128xi32, #tpu.memory_space<vmem>> -> memref<128xi32, #tpu.memory_space<vmem>>
          %dma_wait3A_89 = arith.constant 0 : i32
          %dma_wait3A_90 = arith.constant 0 : i32
          %dma_wait3A_91 = tpu.memref_slice %arg12[%dma_wait3A_89, %dma_wait3A_90] : memref<10240x128xf32, #tpu.memory_space<vmem_shared>> -> memref<10240x128xf32, #tpu.memory_space<vmem_shared>>
          tpu.wait_indirect_dma semaphore(%run_scoped3A : memref<!tpu.dma_semaphore, #tpu.memory_space<semaphore_mem>>) src(%arg9 : memref<128x128xf32, #tpu.memory_space<vmem>>) dst(%dma_wait3A_91 : memref<10240x128xf32, #tpu.memory_space<vmem_shared>>)
          tpu.yield
        }) : () -> ()
        %scan3A_79 = arith.constant 0 : i32
        scf.yield %scan3A_79 : i32
      }
      %scan3A_36 = arith.constant 8 : i32
      %scan3A_37 = arith.constant 0 : i32
      scf.yield %scan3A_37 : i32
    }
    %scan3A_8 = arith.constant 5 : i32
    %barrier3A_9 = arith.constant 0 : index
    tpu.barrier barrier_id(%barrier3A_9)
    %mul3A_10 = arith.constant 640 : i32
    %mul3A_11 = arith.muli %arg1, %mul3A_10 : i32
    %mul3A_12 = arith.constant 640 : i32
    %mul3A_13 = arith.muli %arg1, %mul3A_12 : i32
    "tpu.region"() ({
      %run_scoped3A = tpu.sem_alloc : memref<!tpu.dma_semaphore, #tpu.memory_space<semaphore_mem>>
      %dma_start3A = arith.constant 0 : i32
      %dma_start3A_14 = arith.constant 0 : i32
      %dma_start3A_15 = tpu.memref_slice %arg5[%arg0, %dma_start3A, %dma_start3A_14] : memref<2x10240x128xf32, #tpu.memory_space<hbm>> -> memref<1x10240x128xf32, #tpu.memory_space<hbm>>
      %dma_start3A_16 = tpu.memref_squeeze %dma_start3A_15 : memref<1x10240x128xf32, #tpu.memory_space<hbm>> -> memref<10240x128xf32, #tpu.memory_space<hbm>>
      %dma_start3A_17 = arith.constant 0 : i32
      %dma_start3A_18 = tpu.memref_slice %dma_start3A_16[%mul3A_13, %dma_start3A_17] : memref<10240x128xf32, #tpu.memory_space<hbm>> -> memref<640x128xf32, #tpu.memory_space<hbm>>
      %dma_start3A_19 = arith.constant 0 : i32
      %dma_start3A_20 = tpu.memref_slice %arg12[%mul3A_11, %dma_start3A_19] : memref<10240x128xf32, #tpu.memory_space<vmem_shared>> -> memref<640x128xf32, #tpu.memory_space<vmem_shared>>
      tpu.enqueue_dma source(%dma_start3A_20 : memref<640x128xf32, #tpu.memory_space<vmem_shared>>) target(%dma_start3A_18 : memref<640x128xf32, #tpu.memory_space<hbm>>) target_semaphore(%run_scoped3A : memref<!tpu.dma_semaphore, #tpu.memory_space<semaphore_mem>>)
      %dma_wait3A = arith.constant 0 : i32
      %dma_wait3A_21 = arith.constant 0 : i32
      %dma_wait3A_22 = tpu.memref_slice %arg5[%arg0, %dma_wait3A, %dma_wait3A_21] : memref<2x10240x128xf32, #tpu.memory_space<hbm>> -> memref<1x10240x128xf32, #tpu.memory_space<hbm>>
      %dma_wait3A_23 = tpu.memref_squeeze %dma_wait3A_22 : memref<1x10240x128xf32, #tpu.memory_space<hbm>> -> memref<10240x128xf32, #tpu.memory_space<hbm>>
      %dma_wait3A_24 = arith.constant 0 : i32
      %dma_wait3A_25 = tpu.memref_slice %dma_wait3A_23[%mul3A_13, %dma_wait3A_24] : memref<10240x128xf32, #tpu.memory_space<hbm>> -> memref<640x128xf32, #tpu.memory_space<hbm>>
      %dma_wait3A_26 = arith.constant 0 : i32
      %dma_wait3A_27 = tpu.memref_slice %arg12[%mul3A_11, %dma_wait3A_26] : memref<10240x128xf32, #tpu.memory_space<vmem_shared>> -> memref<640x128xf32, #tpu.memory_space<vmem_shared>>
      tpu.wait_dma2 semaphore(%run_scoped3A : memref<!tpu.dma_semaphore, #tpu.memory_space<semaphore_mem>>) src(%dma_wait3A_27 : memref<640x128xf32, #tpu.memory_space<vmem_shared>>) dst(%dma_wait3A_25 : memref<640x128xf32, #tpu.memory_space<hbm>>)
      tpu.yield
    }) : () -> ()
    return
  }
}

module attributes {stable_mosaic.version = 14 : i64} {
  func.func @_tc1_body(%arg0: i32, %arg1: i32, %arg2: memref<2000x256xf32, #tpu.memory_space<vmem>>, %arg3: memref<256x128xf32, #tpu.memory_space<vmem>>, %arg4: memref<2000x32xf32, #tpu.memory_space<vmem>>, %arg5: memref<1x2000x128xf32, #tpu.memory_space<vmem>>) attributes {dimension_semantics = [#tpu.dimension_semantics<arbitrary>, #tpu.dimension_semantics<arbitrary>], iteration_bounds = array<i64: 2, 5>, scalar_prefetch = 0 : i64, scratch_operands = 0 : i64, tpu.core_type = #tpu.core_type<tc>, window_params = [{transform_indices = @transform_0, window_bounds = array<i64: 2000, 256>}, {transform_indices = @transform_1, window_bounds = array<i64: 256, 128>}, {transform_indices = @transform_2, window_bounds = array<i64: 2000, 32>}, {transform_indices = @transform_3, window_bounds = array<i64: 1, 2000, 128>}]} {
    %get3A = arith.constant 0 : index
    %get3A_0 = arith.constant 0 : index
    %get3A_1 = vector.load %arg4[%get3A, %get3A_0] : memref<2000x32xf32, #tpu.memory_space<vmem>>, vector<2000x32xf32>
    %reduce_sum3A = arith.constant dense<0.000000e+00> : vector<2000xf32>
    %reduce_sum3A_2 = vector.multi_reduction <add>, %get3A_1, %reduce_sum3A [1] : vector<2000x32xf32> to vector<2000xf32>
    %add3A = arith.constant 1.000000e+00 : f32
    %add3A_3 = vector.broadcast %add3A : f32 to vector<2000xf32>
    %add3A_4 = arith.addf %reduce_sum3A_2, %add3A_3 : vector<2000xf32>
    %rsqrt3A = math.rsqrt %add3A_4 : vector<2000xf32>
    %get3A_5 = arith.constant 0 : index
    %get3A_6 = arith.constant 0 : index
    %get3A_7 = vector.load %arg2[%get3A_5, %get3A_6] : memref<2000x256xf32, #tpu.memory_space<vmem>>, vector<2000x256xf32>
    %get3A_8 = arith.constant 0 : index
    %get3A_9 = arith.constant 0 : index
    %get3A_10 = vector.load %arg3[%get3A_8, %get3A_9] : memref<256x128xf32, #tpu.memory_space<vmem>>, vector<256x128xf32>
    %dot_general3A = arith.constant dense<0.000000e+00> : vector<2000x128xf32>
    %dot_general3A_11 = tpu.matmul %get3A_7, %get3A_10, %dot_general3A {dimension_numbers = #tpu.dot_dimension_numbers<[1], [0], [0], [1], [0, 0, 1, 1], [], []>, transpose_lhs_hint = false} : vector<2000x256xf32>, vector<256x128xf32>, vector<2000x128xf32> -> vector<2000x128xf32>
    %broadcast_in_dim3A = vector.shape_cast %rsqrt3A : vector<2000xf32> to vector<2000x1xf32>
    %mul3A = vector.broadcast %broadcast_in_dim3A : vector<2000x1xf32> to vector<2000x128xf32>
    %mul3A_12 = arith.mulf %dot_general3A_11, %mul3A : vector<2000x128xf32>
    %swap3A = arith.constant 0 : index
    %swap3A_13 = arith.constant 0 : index
    %swap3A_14 = arith.constant 0 : index
    %swap3A_15 = vector.load %arg5[%swap3A, %swap3A_13, %swap3A_14] : memref<1x2000x128xf32, #tpu.memory_space<vmem>>, vector<1x2000x128xf32>
    %swap3A_16 = vector.shape_cast %swap3A_15 : vector<1x2000x128xf32> to vector<2000x128xf32>
    %swap3A_17 = vector.shape_cast %mul3A_12 : vector<2000x128xf32> to vector<1x2000x128xf32>
    tpu.vector_store %arg5[%swap3A, %swap3A_13, %swap3A_14], %swap3A_17 {strides = array<i32>} : memref<1x2000x128xf32, #tpu.memory_space<vmem>>, vector<1x2000x128xf32>,
    return
  }
  func.func @transform_0(%arg0: i32, %arg1: i32) -> (i32, i32) {
    %c0_i32 = arith.constant 0 : i32
    %c0_i32_0 = arith.constant 0 : i32
    return %arg1, %c0_i32 : i32, i32
  }
  func.func @transform_1(%arg0: i32, %arg1: i32) -> (i32, i32) {
    %c0_i32 = arith.constant 0 : i32
    %c0_i32_0 = arith.constant 0 : i32
    return %c0_i32, %arg0 : i32, i32
  }
  func.func @transform_2(%arg0: i32, %arg1: i32) -> (i32, i32) {
    %c0_i32 = arith.constant 0 : i32
    %c0_i32_0 = arith.constant 0 : i32
    return %arg1, %c0_i32 : i32, i32
  }
  func.func @transform_3(%arg0: i32, %arg1: i32) -> (i32, i32, i32) {
    %c0_i32 = arith.constant 0 : i32
    %c0_i32_0 = arith.constant 0 : i32
    return %arg0, %arg1, %c0_i32 : i32, i32, i32
  }
}

module attributes {stable_mosaic.version = 14 : i64} {
  func.func @_tc2_body(%arg0: i32, %arg1: i32, %arg2: memref<2x2000x128xf32, #tpu.memory_space<vmem>>, %arg3: memref<2000x32xf32, #tpu.memory_space<vmem>>, %arg4: memref<256xf32, #tpu.memory_space<vmem>>, %arg5: memref<256x128xf32, #tpu.memory_space<vmem>>, %arg6: memref<1x2000x128xf32, #tpu.memory_space<vmem>>) attributes {dimension_semantics = [#tpu.dimension_semantics<arbitrary>, #tpu.dimension_semantics<arbitrary>], iteration_bounds = array<i64: 2, 5>, scalar_prefetch = 0 : i64, scratch_operands = 0 : i64, tpu.core_type = #tpu.core_type<tc>, window_params = [{transform_indices = @transform_0, window_bounds = array<i64: 2, 2000, 128>}, {transform_indices = @transform_1, window_bounds = array<i64: 2000, 32>}, {pipeline_mode = #tpu.pipeline_mode<synchronous>, transform_indices = @transform_2, window_bounds = array<i64: 256>}, {transform_indices = @transform_3, window_bounds = array<i64: 256, 128>}, {transform_indices = @transform_4, window_bounds = array<i64: 1, 2000, 128>}]} {
    %get3A = arith.constant 0 : index
    %get3A_0 = arith.constant 0 : index
    %get3A_1 = vector.load %arg3[%get3A, %get3A_0] : memref<2000x32xf32, #tpu.memory_space<vmem>>, vector<2000x32xf32>
    %reduce_sum3A = arith.constant dense<0.000000e+00> : vector<2000xf32>
    %reduce_sum3A_2 = vector.multi_reduction <add>, %get3A_1, %reduce_sum3A [1] : vector<2000x32xf32> to vector<2000xf32>
    %add3A = arith.constant 1.000000e+00 : f32
    %add3A_3 = vector.broadcast %add3A : f32 to vector<2000xf32>
    %add3A_4 = arith.addf %reduce_sum3A_2, %add3A_3 : vector<2000xf32>
    %rsqrt3A = math.rsqrt %add3A_4 : vector<2000xf32>
    %get3A_5 = arith.constant 0 : index
    %get3A_6 = arith.constant 0 : index
    %get3A_7 = arith.constant 0 : index
    %get3A_8 = vector.load %arg2[%get3A_5, %get3A_6, %get3A_7] : memref<2x2000x128xf32, #tpu.memory_space<vmem>>, vector<1x2000x128xf32>
    %get3A_9 = vector.shape_cast %get3A_8 : vector<1x2000x128xf32> to vector<2000x128xf32>
    %get3A_10 = arith.constant 1 : index
    %get3A_11 = arith.constant 0 : index
    %get3A_12 = arith.constant 0 : index
    %get3A_13 = vector.load %arg2[%get3A_10, %get3A_11, %get3A_12] : memref<2x2000x128xf32, #tpu.memory_space<vmem>>, vector<1x2000x128xf32>
    %get3A_14 = vector.shape_cast %get3A_13 : vector<1x2000x128xf32> to vector<2000x128xf32>
    %concatenate3A = tpu.concatenate %get3A_9, %get3A_14 in 1 : vector<2000x128xf32>, vector<2000x128xf32> -> vector<2000x256xf32>
    %broadcast_in_dim3A = vector.shape_cast %rsqrt3A : vector<2000xf32> to vector<2000x1xf32>
    %mul3A = vector.broadcast %broadcast_in_dim3A : vector<2000x1xf32> to vector<2000x256xf32>
    %mul3A_15 = arith.mulf %concatenate3A, %mul3A : vector<2000x256xf32>
    %get3A_16 = arith.constant 0 : index
    %get3A_17 = vector.load %arg4[%get3A_16] : memref<256xf32, #tpu.memory_space<vmem>>, vector<256xf32>
    %broadcast_in_dim3A_18 = vector.shape_cast %get3A_17 : vector<256xf32> to vector<1x256xf32>
    %add3A_19 = vector.broadcast %broadcast_in_dim3A_18 : vector<1x256xf32> to vector<2000x256xf32>
    %add3A_20 = arith.addf %mul3A_15, %add3A_19 : vector<2000x256xf32>
    %gt3A = arith.constant 0.000000e+00 : f32
    %gt3A_21 = vector.broadcast %gt3A : f32 to vector<2000x256xf32>
    %gt3A_22 = arith.cmpf ogt, %add3A_20, %gt3A_21 : vector<2000x256xf32>
    %min3A = arith.constant 0.000000e+00 : f32
    %min3A_23 = vector.broadcast %min3A : f32 to vector<2000x256xf32>
    %min3A_24 = arith.minimumf %add3A_20, %min3A_23 : vector<2000x256xf32>
    %exp3A = math.exp %min3A_24 : vector<2000x256xf32>
    %sub3A = arith.constant 1.000000e+00 : f32
    %sub3A_25 = vector.broadcast %sub3A : f32 to vector<2000x256xf32>
    %sub3A_26 = arith.subf %exp3A, %sub3A_25 : vector<2000x256xf32>
    %select_n3A = arith.select %gt3A_22, %add3A_20, %sub3A_26 : vector<2000x256xi1>, vector<2000x256xf32>
    %get3A_27 = arith.constant 0 : index
    %get3A_28 = arith.constant 0 : index
    %get3A_29 = vector.load %arg5[%get3A_27, %get3A_28] : memref<256x128xf32, #tpu.memory_space<vmem>>, vector<256x128xf32>
    %dot_general3A = arith.constant dense<0.000000e+00> : vector<2000x128xf32>
    %dot_general3A_30 = tpu.matmul %select_n3A, %get3A_29, %dot_general3A {dimension_numbers = #tpu.dot_dimension_numbers<[1], [0], [0], [1], [0, 0, 1, 1], [], []>, transpose_lhs_hint = false} : vector<2000x256xf32>, vector<256x128xf32>, vector<2000x128xf32> -> vector<2000x128xf32>
    %broadcast_in_dim3A_31 = vector.shape_cast %rsqrt3A : vector<2000xf32> to vector<2000x1xf32>
    %mul3A_32 = vector.broadcast %broadcast_in_dim3A_31 : vector<2000x1xf32> to vector<2000x128xf32>
    %mul3A_33 = arith.mulf %dot_general3A_30, %mul3A_32 : vector<2000x128xf32>
    %swap3A = arith.constant 0 : index
    %swap3A_34 = arith.constant 0 : index
    %swap3A_35 = arith.constant 0 : index
    %swap3A_36 = vector.load %arg6[%swap3A, %swap3A_34, %swap3A_35] : memref<1x2000x128xf32, #tpu.memory_space<vmem>>, vector<1x2000x128xf32>
    %swap3A_37 = vector.shape_cast %swap3A_36 : vector<1x2000x128xf32> to vector<2000x128xf32>
    %swap3A_38 = vector.shape_cast %mul3A_33 : vector<2000x128xf32> to vector<1x2000x128xf32>
    tpu.vector_store %arg6[%swap3A, %swap3A_34, %swap3A_35], %swap3A_38 {strides = array<i32>} : memref<1x2000x128xf32, #tpu.memory_space<vmem>>, vector<1x2000x128xf32>,
    return
  }
  func.func @transform_0(%arg0: i32, %arg1: i32) -> (i32, i32, i32) {
    %c0_i32 = arith.constant 0 : i32
    %c0_i32_0 = arith.constant 0 : i32
    %c0_i32_1 = arith.constant 0 : i32
    return %c0_i32, %arg1, %c0_i32_0 : i32, i32, i32
  }
  func.func @transform_1(%arg0: i32, %arg1: i32) -> (i32, i32) {
    %c0_i32 = arith.constant 0 : i32
    %c0_i32_0 = arith.constant 0 : i32
    return %arg1, %c0_i32 : i32, i32
  }
  func.func @transform_2(%arg0: i32, %arg1: i32) -> i32 {
    %c0_i32 = arith.constant 0 : i32
    %c0_i32_0 = arith.constant 0 : i32
    return %c0_i32 : i32
  }
  func.func @transform_3(%arg0: i32, %arg1: i32) -> (i32, i32) {
    %c0_i32 = arith.constant 0 : i32
    %c0_i32_0 = arith.constant 0 : i32
    return %c0_i32, %arg0 : i32, i32
  }
  func.func @transform_4(%arg0: i32, %arg1: i32) -> (i32, i32, i32) {
    %c0_i32 = arith.constant 0 : i32
    %c0_i32_0 = arith.constant 0 : i32
    return %arg0, %arg1, %c0_i32 : i32, i32, i32
  }
}

module attributes {stable_mosaic.version = 14 : i64} {
  func.func @_tc3_body(%arg0: i32, %arg1: memref<2x2000x128xf32, #tpu.memory_space<vmem>>, %arg2: memref<2000x32xf32, #tpu.memory_space<vmem>>, %arg3: memref<256xf32, #tpu.memory_space<vmem>>, %arg4: memref<2000x256xf32, #tpu.memory_space<vmem>>) attributes {dimension_semantics = [#tpu.dimension_semantics<arbitrary>], iteration_bounds = array<i64: 5>, scalar_prefetch = 0 : i64, scratch_operands = 0 : i64, tpu.core_type = #tpu.core_type<tc>, window_params = [{transform_indices = @transform_0, window_bounds = array<i64: 2, 2000, 128>}, {transform_indices = @transform_1, window_bounds = array<i64: 2000, 32>}, {pipeline_mode = #tpu.pipeline_mode<synchronous>, transform_indices = @transform_2, window_bounds = array<i64: 256>}, {transform_indices = @transform_3, window_bounds = array<i64: 2000, 256>}]} {
    %get3A = arith.constant 0 : index
    %get3A_0 = arith.constant 0 : index
    %get3A_1 = vector.load %arg2[%get3A, %get3A_0] : memref<2000x32xf32, #tpu.memory_space<vmem>>, vector<2000x32xf32>
    %reduce_sum3A = arith.constant dense<0.000000e+00> : vector<2000xf32>
    %reduce_sum3A_2 = vector.multi_reduction <add>, %get3A_1, %reduce_sum3A [1] : vector<2000x32xf32> to vector<2000xf32>
    %add3A = arith.constant 1.000000e+00 : f32
    %add3A_3 = vector.broadcast %add3A : f32 to vector<2000xf32>
    %add3A_4 = arith.addf %reduce_sum3A_2, %add3A_3 : vector<2000xf32>
    %rsqrt3A = math.rsqrt %add3A_4 : vector<2000xf32>
    %get3A_5 = arith.constant 0 : index
    %get3A_6 = arith.constant 0 : index
    %get3A_7 = arith.constant 0 : index
    %get3A_8 = vector.load %arg1[%get3A_5, %get3A_6, %get3A_7] : memref<2x2000x128xf32, #tpu.memory_space<vmem>>, vector<1x2000x128xf32>
    %get3A_9 = vector.shape_cast %get3A_8 : vector<1x2000x128xf32> to vector<2000x128xf32>
    %get3A_10 = arith.constant 1 : index
    %get3A_11 = arith.constant 0 : index
    %get3A_12 = arith.constant 0 : index
    %get3A_13 = vector.load %arg1[%get3A_10, %get3A_11, %get3A_12] : memref<2x2000x128xf32, #tpu.memory_space<vmem>>, vector<1x2000x128xf32>
    %get3A_14 = vector.shape_cast %get3A_13 : vector<1x2000x128xf32> to vector<2000x128xf32>
    %concatenate3A = tpu.concatenate %get3A_9, %get3A_14 in 1 : vector<2000x128xf32>, vector<2000x128xf32> -> vector<2000x256xf32>
    %broadcast_in_dim3A = vector.shape_cast %rsqrt3A : vector<2000xf32> to vector<2000x1xf32>
    %mul3A = vector.broadcast %broadcast_in_dim3A : vector<2000x1xf32> to vector<2000x256xf32>
    %mul3A_15 = arith.mulf %concatenate3A, %mul3A : vector<2000x256xf32>
    %get3A_16 = arith.constant 0 : index
    %get3A_17 = vector.load %arg3[%get3A_16] : memref<256xf32, #tpu.memory_space<vmem>>, vector<256xf32>
    %broadcast_in_dim3A_18 = vector.shape_cast %get3A_17 : vector<256xf32> to vector<1x256xf32>
    %add3A_19 = vector.broadcast %broadcast_in_dim3A_18 : vector<1x256xf32> to vector<2000x256xf32>
    %add3A_20 = arith.addf %mul3A_15, %add3A_19 : vector<2000x256xf32>
    %swap3A = arith.constant 0 : index
    %swap3A_21 = arith.constant 0 : index
    %swap3A_22 = vector.load %arg4[%swap3A, %swap3A_21] : memref<2000x256xf32, #tpu.memory_space<vmem>>, vector<2000x256xf32>
    tpu.vector_store %arg4[%swap3A, %swap3A_21], %add3A_20 {strides = array<i32>} : memref<2000x256xf32, #tpu.memory_space<vmem>>, vector<2000x256xf32>,
    return
  }
  func.func @transform_0(%arg0: i32) -> (i32, i32, i32) {
    %c0_i32 = arith.constant 0 : i32
    %c0_i32_0 = arith.constant 0 : i32
    %c0_i32_1 = arith.constant 0 : i32
    return %c0_i32, %arg0, %c0_i32_0 : i32, i32, i32
  }
  func.func @transform_1(%arg0: i32) -> (i32, i32) {
    %c0_i32 = arith.constant 0 : i32
    %c0_i32_0 = arith.constant 0 : i32
    return %arg0, %c0_i32 : i32, i32
  }
  func.func @transform_2(%arg0: i32) -> i32 {
    %c0_i32 = arith.constant 0 : i32
    %c0_i32_0 = arith.constant 0 : i32
    return %c0_i32 : i32
  }
  func.func @transform_3(%arg0: i32) -> (i32, i32) {
    %c0_i32 = arith.constant 0 : i32
    %c0_i32_0 = arith.constant 0 : i32
    return %arg0, %c0_i32 : i32, i32
  }
}

</mosaic_0001>

<sc_bundles>
// kernel: kernel.11.cloned.1.call-start
scs
__scs_entry_jumppad:
0x0: {  	(pc) =	sbr.rel $0x88, $3  }
0x1: {  	(tag) =	ssettag $0x0;
	lr =	simm.s32 $0x1  }
0x2: {  	[smem:$0x3F9B] =	sst lr;
	_ =	strace $0xD0000000  }
0x3: {  	_ = 	snop  }
0x4: {  	_ = 	snop  }
0x5: {  	_ = 	snop  }
0x6: {  	_ = 	snop  }
0x7: {  	_ = 	snop  }
__scs_overlays_trampoline_lowered:
0x8: {  	[smem:$0x3FAA] =	sst s0  }
0x9: {  	[smem:$0x3FAB] =	sst s1  }
0xa: {  	[smem:$0x3FAC] =	sst s2  }
0xb: {  	[smem:$0x3FAD] =	sst s3  }
0xc: {  	[smem:$0x3FAE] =	sst s4  }
0xd: {  	[smem:$0x3FAF] =	sst s5  }
0xe: {  	[smem:$0x3FB0] =	sst s6  }
0xf: {  	[smem:$0x3FB1] =	sst s7  }
0x10: {  	[smem:$0x3FB2] =	sst s8  }
0x11: {  	[smem:$0x3FB3] =	sst s9;
	s0 =	simm.s32 @!p0 $0x0  }
0x12: {  	s1 =	sld [smem:$0x3F99];
	s0 =	simm.s32 @p0 $0x1  }
0x13: {  	[smem:$0x3FB4] =	sst s0;
	s0 =	simm.s32 @!p1 $0x0  }
0x14: {  	s2 =	sld [smem:$0x3F98];
	s0 =	simm.s32 @p1 $0x1  }
0x15: {  	[smem:$0x3FB5] =	sst s0;
	s0 =	simm.s32 @!p2 $0x0  }
0x16: {  	s3 =	sld [smem:$0x3FDB];
	s0 =	simm.s32 @p2 $0x1  }
0x17: {  	s4 =	simm.s32 $0x1BF5;
	[smem:$0x3FB7] =	sst s0  }
0x18: {  	s0 =	sld [smem:$0x3F9A];
	_ =	swait.ge [sflag:s4], $0x0  }
0x19: {  	s7 =	sld [smem:$0x3F9B]  }
0x1a: {  	s8 =	sadd.s32 $0xFFFFE003, lr  }
0x1b: {  	s9 =	sadd.s32 $0xFFFFFEF7, lr;
	s5 =	simm.s32 $0xFFFFFFFF;
	p2 =	slt.u32 s8, $0xFFFFF086  }
0x1c: {  	p1 =	slt.u32 s9, $0xF7A;
	s5 =	simm.s32 @!p2 $0x0  }
0x1d: {  	s5 =	simm.s32 @p1 $0x1;
	p0 =	seq.s32 s7, s2  }
0x1e: {  	s7 =	smul.u32 @!p0 $0xF7A, s2;
	p2 =	seq.s32 @!p0 s5, $0x0  }
0x1f: {  	s9 =	smul.u32 $0xF7A, s1;
	s8 =	simm.s32 @!p0 $0x1BF5;
	p2 =	por !p2, p0  }
0x20: {  	[sflag:s8] =	ssyncset.s32 @!p0 $0xFFFFF086;
	s6 =	sadd.s32 @!p0 s3, s7;
	s7 =	simm.s32 @!p0 $0x108  }
0x21: {  	s3 =	sadd.s32 s3, s9;
	s6 =	sadd.s32 @!p0 $0x88, s6;
	s7 =	simm.s32 @p2 $0x1082  }
0x22: {  	[simem:s7], [sflag:s8] =	dma.local @!p0 [hbm:s6], $0xF7A  }
0x23: {  	s9 =	sor.u32 $0xD0000000, s2;
	s6 =	simm.s32 $0x108;
	_ =	swait.ge @!p0 [sflag:s8], $0x0  }
0x24: {  	s3 =	sadd.s32 $0x88, s3;
	s6 =	simm.s32 @!p1 $0x1082;
	[sflag:s4] =	ssyncset.s32 $0xFFFFF086  }
0x25: {  	[simem:s6], [sflag:s4] =	dma.local [hbm:s3], $0xF7A  }
0x26: {  	[smem:$0x3F9B] =	sst s1;
	(tag) =	ssettag s2;
	_ =	strace s9  }
0x27: {  	s1 =	sld [smem:$0x3FAB]  }
0x28: {  	s2 =	sld [smem:$0x3FAC]  }
0x29: {  	s4 =	sld [smem:$0x3FAE]  }
0x2a: {  	p0 =	seq.s32 s5, $0x0;
	s5 =	sld [smem:$0x3FAF]  }
0x2b: {  	s6 =	sld [smem:$0x3FB0]  }
0x2c: {  	s7 =	sld [smem:$0x3FB1]  }
0x2d: {  	s3 =	simm.s32 $0x108;
	s8 =	sld [smem:$0x3FB2]  }
0x2e: {  	s3 =	simm.s32 @!p0 $0x1082;
	s9 =	sld [smem:$0x3FB3]  }
0x2f: {  	lr =	sadd.s32 s0, s3;
	s0 =	sld [smem:$0x3FAA]  }
0x30: {  	s3 =	sld [smem:$0x3FAD]  }
0x31: {  	[smem:$0x3FB6] =	sst s10  }
0x32: {  	s10 =	sld [smem:$0x3FB4];
	_ =	sdelay $0x3  }
0x33: {  	p0 =	seq.s32 s10, $0x1;
	s10 =	sld [smem:$0x3FB6];
	_ =	sdelay $0x3  }
0x34: {  	[smem:$0x3FB6] =	sst s10  }
0x35: {  	s10 =	sld [smem:$0x3FB5];
	_ =	sdelay $0x3  }
0x36: {  	p1 =	seq.s32 s10, $0x1;
	s10 =	sld [smem:$0x3FB6];
	_ =	sdelay $0x3  }
0x37: {  	[smem:$0x3FB6] =	sst s10  }
0x38: {  	s10 =	sld [smem:$0x3FB7]  }
0x39: {  	_ = 	snop;
	(pc) =	sbr.ind lr, $3  }
0x3a: {  	_ = 	snop  }
0x3b: {  	_ = 	snop  }
0x3c: {  	p2 =	seq.s32 s10, $0x1;
	s10 =	sld [smem:$0x3FB6]  }
0x3d: {  	_ =	shalt  }
0x3e: {  	_ =	shalt  }
0x3f: {  	_ =	shalt  }
0x40: {  	_ =	shalt  }
0x41: {  	_ =	shalt  }
0x42: {  	_ =	shalt  }
0x43: {  	_ =	shalt  }
0x44: {  	_ =	shalt  }
0x45: {  	_ =	shalt  }
0x46: {  	_ =	shalt  }
0x47: {  	_ =	shalt  }
0x48: {  	_ =	shalt  }
0x49: {  	_ =	shalt  }
0x4a: {  	_ =	shalt  }
0x4b: {  	_ =	shalt  }
0x4c: {  	_ =	shalt  }
0x4d: {  	_ =	shalt  }
0x4e: {  	_ =	shalt  }
0x4f: {  	_ =	shalt  }
0x50: {  	_ =	shalt  }
0x51: {  	_ =	shalt  }
0x52: {  	_ =	shalt  }
0x53: {  	_ =	shalt  }
0x54: {  	_ =	shalt  }
0x55: {  	_ =	shalt  }
0x56: {  	_ =	shalt  }
0x57: {  	_ =	shalt  }
0x58: {  	_ =	shalt  }
0x59: {  	_ =	shalt  }
0x5a: {  	_ =	shalt  }
0x5b: {  	_ =	shalt  }
0x5c: {  	_ =	shalt  }
0x5d: {  	_ =	shalt  }
0x5e: {  	_ =	shalt  }
0x5f: {  	_ =	shalt  }
0x60: {  	_ =	shalt  }
0x61: {  	_ =	shalt  }
0x62: {  	_ =	shalt  }
0x63: {  	_ =	shalt  }
0x64: {  	_ =	shalt  }
0x65: {  	_ =	shalt  }
0x66: {  	_ =	shalt  }
0x67: {  	_ =	shalt  }
0x68: {  	_ =	shalt  }
0x69: {  	_ =	shalt  }
0x6a: {  	_ =	shalt  }
0x6b: {  	_ =	shalt  }
0x6c: {  	_ =	shalt  }
0x6d: {  	_ =	shalt  }
0x6e: {  	_ =	shalt  }
0x6f: {  	_ =	shalt  }
0x70: {  	_ =	shalt  }
0x71: {  	_ =	shalt  }
0x72: {  	_ =	shalt  }
0x73: {  	_ =	shalt  }
0x74: {  	_ =	shalt  }
0x75: {  	_ =	shalt  }
0x76: {  	_ =	shalt  }
0x77: {  	_ =	shalt  }
0x78: {  	_ =	shalt  }
0x79: {  	_ =	shalt  }
0x7a: {  	_ =	shalt  }
0x7b: {  	_ =	shalt  }
0x7c: {  	_ =	shalt  }
0x7d: {  	_ =	shalt  }
0x7e: {  	_ =	shalt  }
0x7f: {  	_ =	shalt  }
0x80: {  	_ =	shalt  }
0x81: {  	_ =	shalt  }
0x82: {  	_ =	shalt  }
0x83: {  	_ =	shalt  }
0x84: {  	_ =	shalt  }
0x85: {  	_ =	shalt  }
0x86: {  	_ =	shalt  }
0x87: {  	_ =	shalt  }
.Lfunc_end0:
.L_simem_size_0:
called_computation.1_lowered:
.L_overlay_start_0:
0x88: {  	s2 =	sld [smem:$0x3FD9]  }
0x89: {  	s3 =	sld [smem:$0x3FFE];
	_ =	sdelay $0x1  }
0x8a: {  	s1 =	srdreg.scid  }
0x8b: {  	s0 =	sand.u32 $0x1, s1  }
0x8c: {  	s16 =	sshll.u32 s0, $0xA;
	s2 =	sadd.s32 s3, s2  }
0x8d: {  	s2 =	sadd.s32 s2, s16  }
0x8e: {  	[smem:$0x3FC2] =	sst s2  }
0x8f: {  	_ = 	snop  }
0x90: {  	(tm) =	ssettm $0x1  }
0x91: {  	s17 =	sld [smem:$0x3FFB];
	_ =	sdelay $0x3  }
0x92: {  	_ =	strace s17  }
0x93: {  	s2 =	sld [smem:$0x3FFC];
	_ =	sdelay $0x3  }
0x94: {  	_ =	strace s2  }
0x95: {  	s2 =	sld [smem:$0x3FFD];
	_ =	sdelay $0x3  }
0x96: {  	_ =	strace s2  }
0x97: {  	_ =	strace $0x8FFFFFFF  }
0x98: {  	s18 =	sld [smem:$0x3FDB];
	_ =	sdelay $0x1  }
0x99: {  	s19 =	simm.s32 $_scs_section_size  }
0x9a: {  	s4 =	simm.s32 $_size__tile_overlayer_lowered;
	s5 =	simm.s32 $_tile_overlayer_lowered  }
0x9b: {  	s22 =	simm.s32 $0x1BFF;
	s21 =	sshll.u32 s5, $0x1;
	s2 =	sadd.s32 s19, s18  }
0x9c: {  	s6 =	simm.s32 $0x0;
	s20 =	sshll.u32 s4, $0x1;
	s4 =	sadd.s32 s21, s2  }
0x9d: {  	[timem:s6], [sflag:s22] =	dma.local [hbm:s4], s20  }
0x9e: {  	_ =	swait.ge [sflag:s22], s20  }
0x9f: {  	s3 =	ssub.s32 $0x0, s20;
	[sflag:s22] =	ssyncset.done $0x0  }
0xa0: {  	[sflag:s22] =	ssyncadd.s32 s3;
	_ =	sdelay $0x1  }
0xa1: {  	s23 =	simm.s32 $0x1B8B  }
0xa2: {  	_ =	swait.ge [sflag:s23], $0x1  }
0xa3: {  	[sflag:s23] =	ssyncset.done $0x0  }
0xa4: {  	s25 =	simm.s32 $0x1B8E;
	s24 =	sld [smem:$0x3FFE];
	[sflag:s23] =	ssyncadd.s32 $0xFFFFFFFF  }
0xa5: {  	s26 =	simm.s32 $execute0_lowered;
	[smem:$0x3FD2] =	sst s25  }
0xa6: {  	s4 =	sshll.u32 s26, $0x1;
	_ =	strace $0x80000049;
	[dreg:$0x1] =	wrdreg $0xFFFFFFFF  }
0xa7: {  	s28 =	simm.s32 $_size_execute0_lowered;
	s2 =	sadd.s32 s2, s4;
	[dreg:$0x0] =	wrdreg $0x0  }
0xa8: {  	s4 =	sshll.u32 s28, $0x1;
	[dreg:$0x2] =	wrdreg s2  }
0xa9: {  	[dreg:$0x3] =	wrdreg s4  }
0xaa: {  	[dreg:$0x4] =	wrdreg $0xC0  }
0xab: {  	_ =	task [dreg:s6], $0x5FFFF  }
0xac: {  	[dreg:$0x1] =	wrdreg $0xFFFFFFFF  }
0xad: {  	[dreg:$0x0] =	wrdreg $0x60  }
0xae: {  	[dreg:$0x2] =	wrdreg s24  }
0xaf: {  	[dreg:$0x3] =	wrdreg $0x90000  }
0xb0: {  	[dreg:$0x4] =	wrdreg $0x9  }
0xb1: {  	_ =	task.clear_ibuf [dreg:s6], $0x5FFFF;
	_ =	strace $0x90000049  }
0xb2: {  	s29 =	simm.s32 $0x9;
	_ =	strace $0x8000004B  }
0xb3: {  	_ =	swait.ge [sflag:s29], $0x1  }
0xb4: {  	[sflag:s29] =	ssyncadd.s32 $0xFFFFFFFF  }
0xb5: {  	_ =	strace $0x9000004B  }
0xb6: {  	_ =	sfence  }
0xb7: {  	s30 =	sld [smem:$0x0];
	_ =	sdelay $0x2  }
0xb8: {  	s31 =	sshll.u32 s1, $0xD;
	s1 =	sshrl.u32 s1, $0x2  }
0xb9: {  	s3 =	sand.u32 $0x4000, s31;
	s1 =	sadd.s32 s1, s30  }
0xba: {  	s0 =	sor.u32 s3, s0;
	s1 =	sshll.u32 s1, $0x11  }
0xbb: {  	s0 =	sor.u32 s1, s0  }
0xbc: {  	s0 =	sadd.s32 $0x8F2B, s0  }
0xbd: {  	[sflag:s0] =	ssyncadd.remote.s32 $0x1  }
0xbe: {  	_ =	sfence.sel $0xFFFF  }
0xbf: {  	[dreg:$0x0] =	wrdreg $0xFFFFFFFF;
	(pc) =	sbr.abs _section_cstart, $3  }
0xc0: {  	[dreg:$0x1] =	wrdreg $0xFFFFFFFF  }
0xc1: {  	_ =	task.clear_ibuf [dreg:s6], $0x2FFFF;
	_ =	strace $0x9FFFFFFF  }
0xc2: {  	(tm) =	ssettm $0x7FFFFFFF  }
0xc3: {  	_ =	shalt  }
tec
execute0_lowered:
.L_overlay_start_1:
0x0: {  	(tag) =	ssettag $0x1  }
0x1: {  	s0 =	rddreg [dreg:$0x0]  }
0x2: {  	s9 =	stileid.u32;
	s2 =	rddreg [dreg:$0x1];
	s3 =	simm.s32 $0x0  }
0x3: {  	s1 =	srdreg.scid;
	s14 =	simm.s32 $0x100;
	[smem:$0x7FF] =	sst s3  }
0x4: {  	s16 =	simm.s32 $0x880;
	_ =	strace $0x8000004A;
	[dreg:$0x5] =	wrdreg s14  }
0x5: {  	s17 =	simm.s32 $0x180;
	s18 =	simm.s32 $0x900;
	[dreg:$0x6] =	wrdreg s16  }
0x6: {  	s19 =	simm.s32 $0x200;
	s20 =	simm.s32 $0x980;
	[dreg:$0x7] =	wrdreg s17  }
0x7: {  	s21 =	simm.s32 $0x280;
	s22 =	simm.s32 $0xA00;
	[dreg:$0x8] =	wrdreg s18  }
0x8: {  	s23 =	simm.s32 $0x300;
	s24 =	simm.s32 $0xA80;
	[dreg:$0x9] =	wrdreg s19  }
0x9: {  	s25 =	simm.s32 $0x380;
	s26 =	simm.s32 $0xB00;
	[dreg:$0xa] =	wrdreg s20  }
0xa: {  	s28 =	simm.s32 $0x680;
	s29 =	simm.s32 $0xE00;
	[dreg:$0xb] =	wrdreg s21  }
0xb: {  	s30 =	simm.s32 $0x700;
	s31 =	simm.s32 $0xE80;
	[dreg:$0xc] =	wrdreg s22  }
0xc: {  	s4 =	smul.u32 $0x500, s9;
	s1 =	sand.u32 $0x1, s1;
	[dreg:$0xd] =	wrdreg s23  }
0xd: {  	s6 =	smul.u32 $0x50000, s9;
	s15 =	sshll.u32 s9, $0x6;
	[dreg:$0xe] =	wrdreg s24  }
0xe: {  	s5 =	smul.u32 $0x28000, s1;
	s1 =	ssub.s32 $0x2, s1;
	[dreg:$0xf] =	wrdreg s25  }
0xf: {  	s14 =	simm.s32 $0x1;
	[dreg:$0x10] =	wrdreg s26;
	s16 =	simm.s32 $0x400  }
0x10: {  	s17 =	simm.s32 $0xB80;
	s18 =	simm.s32 $0x480;
	s19 =	simm.s32 $0xC00  }
0x11: {  	s20 =	simm.s32 $0x500;
	s21 =	simm.s32 $0xC80;
	s22 =	simm.s32 $0x580  }
0x12: {  	s23 =	simm.s32 $0xD00;
	s25 =	simm.s32 $0x600;
	s26 =	simm.s32 $0xD80  }
0x13: {  	s24 =	simm.s32 $0x0;
	s7 =	sadd.s32 s4, s0;
	s10 =	sshrl.u32 s1, $0x1  }
0x14: {  	s11 =	sshrl.u32 s6, $0x2;
	s6 =	smul.u32 $0x2800, s9;
	s9 =	simm.s32 $0x3  }
0x15: {  	s0 =	sadd.s32 s5, s0;
	s1 =	ssub.s32 s1, s10;
	s12 =	sadd.s32 s11, s2  }
0x16: {  	s8 =	sadd.s32 $0x6E00, s7;
	s7 =	sadd.s32 $0x1E00, s7;
	s10 =	simm.s32 $0x800  }
0x17: {  	s11 =	simm.s32 $0x80;
	s5 =	simm.s32 $0xF80;
	[dreg:$0x3] =	wrdreg s8  }
0x18: {  	s4 =	sadd.s32 $0xBE00, s0;
	[dreg:$0x4] =	wrdreg s7;
	s1 =	smax.u32 s1, $0x1  }
0x19: {  	s8 =	sor.u32 $0x1C03, s15;
	s0 =	sadd.s32 $0x5BE00, s0;
	[dreg:$0x13] =	wrdreg s1  }
0x1a: {  	s7 =	sshrl.u32 s12, $0x3;
	s12 =	simm.s32 $0x1000;
	[dreg:$0x12] =	wrdreg s8  }
0x1b: {  	s15 =	simm.s32 $0x2;
	s13 =	sadd.s32 s6, s4;
	[dreg:$0x14] =	wrdreg s7  }
0x1c: {  	s0 =	sadd.s32 s6, s0;
	s1 =	simm.s32 $0x780;
	[dreg:$0x11] =	wrdreg s13  }
0x1d: {  	s13 =	simm.s32 $0x5000;
	[dreg:$0x15] =	wrdreg s0;
	s0 =	simm.s32 $0xF00  }
.LBB2_1:
0x1e: {  	[dreg:$0x16] =	wrdreg s24  }
0x1f: {  	s6 =	rddreg [dreg:$0x11]  }
0x20: {  	[spmem:s7], [sflag:s8] =	dma.local [hbm:s6], $0x2800  }
0x21: {  	_ =	swait.ge [sflag:s9], $0x2800  }
0x22: {  	[sflag:s9] =	ssyncset.done $0x0  }
0x23: {  	[sflag:s9] =	ssyncadd.s32 $0xFFFFD800  }
0x24: {  	[bflag:$0x0] =	sbarrier.arrive $0xFFFF  }
0x25: {  	s8 =	rddreg [dreg:$0x4]  }
0x26: {  	s6 =	sadd.s32 $0x0, s8  }
0x27: {  	[tilespmem:s3], [sflag:$0x3] =	stream.linear.gather [hbm4b:s6+s3], $0x800, $0x38;
	[tilespmem:$0x1D000] =	vst v63  }
0x28: {  	_ =	swait.ge [sflag:s9], $0x800  }
0x29: {  	s24 =	rddreg [dreg:$0x3];
	[sflag:s9] =	ssyncset.done $0x0  }
0x2a: {  	[sflag:s9] =	ssyncadd.s32 $0xFFFFF800;
	s6 =	sadd.s32 $0x0, s24  }
0x2b: {  	[tilespmem:s10], [sflag:$0x3] =	stream.linear.gather [hbm4b:s6+s3], $0x800, $0x38;
	[tilespmem:$0x1D000] =	vst v63  }
0x2c: {  	_ =	swait.ge [sflag:s9], $0x800  }
0x2d: {  	[sflag:s9] =	ssyncset.done $0x0  }
0x2e: {  	[sflag:s9] =	ssyncadd.s32 $0xFFFFF800  }
0x2f: {  	[tilespmem:s12], [sflag:$0x1] =	stream.indirect.gather [hbm4b:s4+s11], $0x80, s3, s11, $0xb8;
	[tilespmem:$0x1D000] =	vst v63  }
0x30: {  	_ = 	snop  }
0x31: {  	[tilespmem:s13], [sflag:$0x2] =	stream.indirect.gather [hbm4b:s4+s11], $0x80, s11, s11, $0xb8;
	[tilespmem:$0x1D000] =	vst v63  }
0x32: {  	_ =	swait.ge [sflag:s14], $0x4000  }
0x33: {  	[sflag:s14] =	ssyncset.done $0x0  }
0x34: {  	[sflag:s14] =	ssyncadd.s32 $0xFFFFC000  }
0x35: {  	[spmem:s2] =	stream.indirect.scatter.add.f32 [tilespmem:s12], [sflag:$0x3], $0x80, s10, s11, $0xb8;
	[tilespmem:$0x1D000] =	vst v63  }
0x36: {  	_ =	swait.ge [sflag:s9], $0x4000  }
0x37: {  	[sflag:s9] =	ssyncset.done $0x0  }
0x38: {  	s7 =	rddreg [dreg:$0x5];
	[sflag:s9] =	ssyncadd.s32 $0xFFFFC000  }
0x39: {  	[tilespmem:s12], [sflag:$0x1] =	stream.indirect.gather [hbm4b:s4+s11], $0x80, s7, s11, $0xb8;
	[tilespmem:$0x1D000] =	vst v63  }
0x3a: {  	_ =	swait.ge [sflag:s15], $0x4000  }
0x3b: {  	[sflag:s15] =	ssyncset.done $0x0  }
0x3c: {  	s8 =	rddreg [dreg:$0x6];
	[sflag:s15] =	ssyncadd.s32 $0xFFFFC000  }
0x3d: {  	[spmem:s2] =	stream.indirect.scatter.add.f32 [tilespmem:s13], [sflag:$0x3], $0x80, s8, s11, $0xb8;
	[tilespmem:$0x1D000] =	vst v63  }
0x3e: {  	_ =	swait.ge [sflag:s9], $0x4000  }
0x3f: {  	[sflag:s9] =	ssyncset.done $0x0  }
0x40: {  	s24 =	rddreg [dreg:$0x7];
	[sflag:s9] =	ssyncadd.s32 $0xFFFFC000  }
0x41: {  	[tilespmem:s13], [sflag:$0x2] =	stream.indirect.gather [hbm4b:s4+s11], $0x80, s24, s11, $0xb8;
	[tilespmem:$0x1D000] =	vst v63  }
0x42: {  	_ =	swait.ge [sflag:s14], $0x4000  }
0x43: {  	[sflag:s14] =	ssyncset.done $0x0  }
0x44: {  	s7 =	rddreg [dreg:$0x8];
	[sflag:s14] =	ssyncadd.s32 $0xFFFFC000  }
0x45: {  	[spmem:s2] =	stream.indirect.scatter.add.f32 [tilespmem:s12], [sflag:$0x3], $0x80, s7, s11, $0xb8;
	[tilespmem:$0x1D000] =	vst v63  }
0x46: {  	_ =	swait.ge [sflag:s9], $0x4000  }
0x47: {  	[sflag:s9] =	ssyncset.done $0x0  }
0x48: {  	s8 =	rddreg [dreg:$0x9];
	[sflag:s9] =	ssyncadd.s32 $0xFFFFC000  }
0x49: {  	[tilespmem:s12], [sflag:$0x1] =	stream.indirect.gather [hbm4b:s4+s11], $0x80, s8, s11, $0xb8;
	[tilespmem:$0x1D000] =	vst v63  }
0x4a: {  	_ =	swait.ge [sflag:s15], $0x4000  }
0x4b: {  	[sflag:s15] =	ssyncset.done $0x0  }
0x4c: {  	s24 =	rddreg [dreg:$0xa];
	[sflag:s15] =	ssyncadd.s32 $0xFFFFC000  }
0x4d: {  	[spmem:s2] =	stream.indirect.scatter.add.f32 [tilespmem:s13], [sflag:$0x3], $0x80, s24, s11, $0xb8;
	[tilespmem:$0x1D000] =	vst v63  }
0x4e: {  	_ =	swait.ge [sflag:s9], $0x4000  }
0x4f: {  	[sflag:s9] =	ssyncset.done $0x0  }
0x50: {  	s7 =	rddreg [dreg:$0xb];
	[sflag:s9] =	ssyncadd.s32 $0xFFFFC000  }
0x51: {  	[tilespmem:s13], [sflag:$0x2] =	stream.indirect.gather [hbm4b:s4+s11], $0x80, s7, s11, $0xb8;
	[tilespmem:$0x1D000] =	vst v63  }
0x52: {  	_ =	swait.ge [sflag:s14], $0x4000  }
0x53: {  	[sflag:s14] =	ssyncset.done $0x0  }
0x54: {  	s8 =	rddreg [dreg:$0xc];
	[sflag:s14] =	ssyncadd.s32 $0xFFFFC000  }
0x55: {  	[spmem:s2] =	stream.indirect.scatter.add.f32 [tilespmem:s12], [sflag:$0x3], $0x80, s8, s11, $0xb8;
	[tilespmem:$0x1D000] =	vst v63  }
0x56: {  	_ =	swait.ge [sflag:s9], $0x4000  }
0x57: {  	[sflag:s9] =	ssyncset.done $0x0  }
0x58: {  	s24 =	rddreg [dreg:$0xd];
	[sflag:s9] =	ssyncadd.s32 $0xFFFFC000  }
0x59: {  	[tilespmem:s12], [sflag:$0x1] =	stream.indirect.gather [hbm4b:s4+s11], $0x80, s24, s11, $0xb8;
	[tilespmem:$0x1D000] =	vst v63  }
0x5a: {  	_ =	swait.ge [sflag:s15], $0x4000  }
0x5b: {  	[sflag:s15] =	ssyncset.done $0x0  }
0x5c: {  	s7 =	rddreg [dreg:$0xe];
	[sflag:s15] =	ssyncadd.s32 $0xFFFFC000  }
0x5d: {  	[spmem:s2] =	stream.indirect.scatter.add.f32 [tilespmem:s13], [sflag:$0x3], $0x80, s7, s11, $0xb8;
	[tilespmem:$0x1D000] =	vst v63  }
0x5e: {  	_ =	swait.ge [sflag:s9], $0x4000  }
0x5f: {  	[sflag:s9] =	ssyncset.done $0x0  }
0x60: {  	s8 =	rddreg [dreg:$0xf];
	[sflag:s9] =	ssyncadd.s32 $0xFFFFC000  }
0x61: {  	[tilespmem:s13], [sflag:$0x2] =	stream.indirect.gather [hbm4b:s4+s11], $0x80, s8, s11, $0xb8;
	[tilespmem:$0x1D000] =	vst v63  }
0x62: {  	_ =	swait.ge [sflag:s14], $0x4000  }
0x63: {  	[sflag:s14] =	ssyncset.done $0x0  }
0x64: {  	s24 =	rddreg [dreg:$0x10];
	[sflag:s14] =	ssyncadd.s32 $0xFFFFC000  }
0x65: {  	[spmem:s2] =	stream.indirect.scatter.add.f32 [tilespmem:s12], [sflag:$0x3], $0x80, s24, s11, $0xb8;
	[tilespmem:$0x1D000] =	vst v63  }
0x66: {  	_ =	swait.ge [sflag:s9], $0x4000  }
0x67: {  	[sflag:s9] =	ssyncset.done $0x0  }
0x68: {  	[sflag:s9] =	ssyncadd.s32 $0xFFFFC000  }
0x69: {  	[tilespmem:s12], [sflag:$0x1] =	stream.indirect.gather [hbm4b:s4+s11], $0x80, s16, s11, $0xb8;
	[tilespmem:$0x1D000] =	vst v63  }
0x6a: {  	_ =	swait.ge [sflag:s15], $0x4000  }
0x6b: {  	[sflag:s15] =	ssyncset.done $0x0  }
0x6c: {  	[sflag:s15] =	ssyncadd.s32 $0xFFFFC000  }
0x6d: {  	[spmem:s2] =	stream.indirect.scatter.add.f32 [tilespmem:s13], [sflag:$0x3], $0x80, s17, s11, $0xb8;
	[tilespmem:$0x1D000] =	vst v63  }
0x6e: {  	_ =	swait.ge [sflag:s9], $0x4000  }
0x6f: {  	[sflag:s9] =	ssyncset.done $0x0  }
0x70: {  	[sflag:s9] =	ssyncadd.s32 $0xFFFFC000  }
0x71: {  	[tilespmem:s13], [sflag:$0x2] =	stream.indirect.gather [hbm4b:s4+s11], $0x80, s18, s11, $0xb8;
	[tilespmem:$0x1D000] =	vst v63  }
0x72: {  	_ =	swait.ge [sflag:s14], $0x4000  }
0x73: {  	[sflag:s14] =	ssyncset.done $0x0  }
0x74: {  	[sflag:s14] =	ssyncadd.s32 $0xFFFFC000  }
0x75: {  	[spmem:s2] =	stream.indirect.scatter.add.f32 [tilespmem:s12], [sflag:$0x3], $0x80, s19, s11, $0xb8;
	[tilespmem:$0x1D000] =	vst v63  }
0x76: {  	_ =	swait.ge [sflag:s9], $0x4000  }
0x77: {  	[sflag:s9] =	ssyncset.done $0x0  }
0x78: {  	[sflag:s9] =	ssyncadd.s32 $0xFFFFC000  }
0x79: {  	[tilespmem:s12], [sflag:$0x1] =	stream.indirect.gather [hbm4b:s4+s11], $0x80, s20, s11, $0xb8;
	[tilespmem:$0x1D000] =	vst v63  }
0x7a: {  	_ =	swait.ge [sflag:s15], $0x4000  }
0x7b: {  	[sflag:s15] =	ssyncset.done $0x0  }
0x7c: {  	[sflag:s15] =	ssyncadd.s32 $0xFFFFC000  }
0x7d: {  	[spmem:s2] =	stream.indirect.scatter.add.f32 [tilespmem:s13], [sflag:$0x3], $0x80, s21, s11, $0xb8;
	[tilespmem:$0x1D000] =	vst v63  }
0x7e: {  	_ =	swait.ge [sflag:s9], $0x4000  }
0x7f: {  	[sflag:s9] =	ssyncset.done $0x0  }
0x80: {  	[sflag:s9] =	ssyncadd.s32 $0xFFFFC000  }
0x81: {  	[tilespmem:s13], [sflag:$0x2] =	stream.indirect.gather [hbm4b:s4+s11], $0x80, s22, s11, $0xb8;
	[tilespmem:$0x1D000] =	vst v63  }
0x82: {  	_ =	swait.ge [sflag:s14], $0x4000  }
0x83: {  	[sflag:s14] =	ssyncset.done $0x0  }
0x84: {  	[sflag:s14] =	ssyncadd.s32 $0xFFFFC000  }
0x85: {  	[spmem:s2] =	stream.indirect.scatter.add.f32 [tilespmem:s12], [sflag:$0x3], $0x80, s23, s11, $0xb8;
	[tilespmem:$0x1D000] =	vst v63  }
0x86: {  	_ =	swait.ge [sflag:s9], $0x4000  }
0x87: {  	[sflag:s9] =	ssyncset.done $0x0  }
0x88: {  	[sflag:s9] =	ssyncadd.s32 $0xFFFFC000  }
0x89: {  	[tilespmem:s12], [sflag:$0x1] =	stream.indirect.gather [hbm4b:s4+s11], $0x80, s25, s11, $0xb8;
	[tilespmem:$0x1D000] =	vst v63  }
0x8a: {  	_ =	swait.ge [sflag:s15], $0x4000  }
0x8b: {  	[sflag:s15] =	ssyncset.done $0x0  }
0x8c: {  	[sflag:s15] =	ssyncadd.s32 $0xFFFFC000  }
0x8d: {  	[spmem:s2] =	stream.indirect.scatter.add.f32 [tilespmem:s13], [sflag:$0x3], $0x80, s26, s11, $0xb8;
	[tilespmem:$0x1D000] =	vst v63  }
0x8e: {  	_ =	swait.ge [sflag:s9], $0x4000  }
0x8f: {  	[sflag:s9] =	ssyncset.done $0x0  }
0x90: {  	[sflag:s9] =	ssyncadd.s32 $0xFFFFC000  }
0x91: {  	[tilespmem:s13], [sflag:$0x2] =	stream.indirect.gather [hbm4b:s4+s11], $0x80, s28, s11, $0xb8;
	[tilespmem:$0x1D000] =	vst v63  }
0x92: {  	_ =	swait.ge [sflag:s14], $0x4000  }
0x93: {  	[sflag:s14] =	ssyncset.done $0x0  }
0x94: {  	[sflag:s14] =	ssyncadd.s32 $0xFFFFC000  }
0x95: {  	[spmem:s2] =	stream.indirect.scatter.add.f32 [tilespmem:s12], [sflag:$0x3], $0x80, s29, s11, $0xb8;
	[tilespmem:$0x1D000] =	vst v63  }
0x96: {  	_ =	swait.ge [sflag:s9], $0x4000  }
0x97: {  	[sflag:s9] =	ssyncset.done $0x0  }
0x98: {  	[sflag:s9] =	ssyncadd.s32 $0xFFFFC000  }
0x99: {  	[tilespmem:s12], [sflag:$0x1] =	stream.indirect.gather [hbm4b:s4+s11], $0x80, s30, s11, $0xb8;
	[tilespmem:$0x1D000] =	vst v63  }
0x9a: {  	_ =	swait.ge [sflag:s15], $0x4000  }
0x9b: {  	[sflag:s15] =	ssyncset.done $0x0  }
0x9c: {  	[sflag:s15] =	ssyncadd.s32 $0xFFFFC000  }
0x9d: {  	[spmem:s2] =	stream.indirect.scatter.add.f32 [tilespmem:s13], [sflag:$0x3], $0x80, s31, s11, $0xb8;
	[tilespmem:$0x1D000] =	vst v63  }
0x9e: {  	_ =	swait.ge [sflag:s9], $0x4000  }
0x9f: {  	[sflag:s9] =	ssyncset.done $0x0  }
0xa0: {  	[sflag:s9] =	ssyncadd.s32 $0xFFFFC000  }
0xa1: {  	[tilespmem:s13], [sflag:$0x2] =	stream.indirect.gather [hbm4b:s4+s11], $0x80, s1, s11, $0xb8;
	[tilespmem:$0x1D000] =	vst v63  }
0xa2: {  	_ =	swait.ge [sflag:s14], $0x4000  }
0xa3: {  	[sflag:s14] =	ssyncset.done $0x0  }
0xa4: {  	[sflag:s14] =	ssyncadd.s32 $0xFFFFC000  }
0xa5: {  	[spmem:s2] =	stream.indirect.scatter.add.f32 [tilespmem:s12], [sflag:$0x3], $0x80, s0, s11, $0xb8;
	[tilespmem:$0x1D000] =	vst v63  }
0xa6: {  	_ =	swait.ge [sflag:s9], $0x4000  }
0xa7: {  	[sflag:s9] =	ssyncset.done $0x0  }
0xa8: {  	[sflag:s9] =	ssyncadd.s32 $0xFFFFC000  }
0xa9: {  	_ =	swait.ge [sflag:s15], $0x4000  }
0xaa: {  	[sflag:s15] =	ssyncset.done $0x0  }
0xab: {  	[sflag:s15] =	ssyncadd.s32 $0xFFFFC000  }
0xac: {  	[spmem:s2] =	stream.indirect.scatter.add.f32 [tilespmem:s13], [sflag:$0x3], $0x80, s5, s11, $0xb8;
	[tilespmem:$0x1D000] =	vst v63  }
0xad: {  	s6 =	simm.s32 $0x200;
	_ =	swait.ge [sflag:s9], $0x4000  }
0xae: {  	s24 =	simm.s32 $0x100;
	s8 =	rddreg [dreg:$0x4];
	[sflag:s9] =	ssyncset.done $0x0  }
.LBB2_2:
0xaf: {  	[sflag:s9] =	ssyncadd.s32 $0xFFFFC000;
	s8 =	sadd.s32 s24, s8  }
0xb0: {  	[tilespmem:s3], [sflag:$0x3] =	stream.linear.gather [hbm4b:s8+s3], $0x800, $0x38;
	[tilespmem:$0x1D000] =	vst v63  }
0xb1: {  	_ =	swait.ge [sflag:s9], $0x800  }
0xb2: {  	s8 =	rddreg [dreg:$0x3];
	[sflag:s9] =	ssyncset.done $0x0  }
0xb3: {  	[sflag:s9] =	ssyncadd.s32 $0xFFFFF800;
	s8 =	sadd.s32 s24, s8  }
0xb4: {  	[tilespmem:s10], [sflag:$0x3] =	stream.linear.gather [hbm4b:s8+s3], $0x800, $0x38;
	[tilespmem:$0x1D000] =	vst v63  }
0xb5: {  	_ =	swait.ge [sflag:s9], $0x800  }
0xb6: {  	[sflag:s9] =	ssyncset.done $0x0  }
0xb7: {  	[sflag:s9] =	ssyncadd.s32 $0xFFFFF800  }
0xb8: {  	[tilespmem:s12], [sflag:$0x1] =	stream.indirect.gather [hbm4b:s4+s11], $0x80, s3, s11, $0xb8;
	[tilespmem:$0x1D000] =	vst v63  }
0xb9: {  	_ = 	snop  }
0xba: {  	[tilespmem:s13], [sflag:$0x2] =	stream.indirect.gather [hbm4b:s4+s11], $0x80, s11, s11, $0xb8;
	[tilespmem:$0x1D000] =	vst v63  }
0xbb: {  	_ =	swait.ge [sflag:s14], $0x4000  }
0xbc: {  	[sflag:s14] =	ssyncset.done $0x0  }
0xbd: {  	[sflag:s14] =	ssyncadd.s32 $0xFFFFC000  }
0xbe: {  	[spmem:s2] =	stream.indirect.scatter.add.f32 [tilespmem:s12], [sflag:$0x3], $0x80, s10, s11, $0xb8;
	[tilespmem:$0x1D000] =	vst v63  }
0xbf: {  	_ =	swait.ge [sflag:s9], $0x4000  }
0xc0: {  	[sflag:s9] =	ssyncset.done $0x0  }
0xc1: {  	s8 =	rddreg [dreg:$0x5];
	[sflag:s9] =	ssyncadd.s32 $0xFFFFC000  }
0xc2: {  	[tilespmem:s12], [sflag:$0x1] =	stream.indirect.gather [hbm4b:s4+s11], $0x80, s8, s11, $0xb8;
	[tilespmem:$0x1D000] =	vst v63  }
0xc3: {  	_ =	swait.ge [sflag:s15], $0x4000  }
0xc4: {  	[sflag:s15] =	ssyncset.done $0x0  }
0xc5: {  	s8 =	rddreg [dreg:$0x6];
	[sflag:s15] =	ssyncadd.s32 $0xFFFFC000  }
0xc6: {  	[spmem:s2] =	stream.indirect.scatter.add.f32 [tilespmem:s13], [sflag:$0x3], $0x80, s8, s11, $0xb8;
	[tilespmem:$0x1D000] =	vst v63  }
0xc7: {  	_ =	swait.ge [sflag:s9], $0x4000  }
0xc8: {  	[sflag:s9] =	ssyncset.done $0x0  }
0xc9: {  	s8 =	rddreg [dreg:$0x7];
	[sflag:s9] =	ssyncadd.s32 $0xFFFFC000  }
0xca: {  	[tilespmem:s13], [sflag:$0x2] =	stream.indirect.gather [hbm4b:s4+s11], $0x80, s8, s11, $0xb8;
	[tilespmem:$0x1D000] =	vst v63  }
0xcb: {  	_ =	swait.ge [sflag:s14], $0x4000  }
0xcc: {  	[sflag:s14] =	ssyncset.done $0x0  }
0xcd: {  	s8 =	rddreg [dreg:$0x8];
	[sflag:s14] =	ssyncadd.s32 $0xFFFFC000  }
0xce: {  	[spmem:s2] =	stream.indirect.scatter.add.f32 [tilespmem:s12], [sflag:$0x3], $0x80, s8, s11, $0xb8;
	[tilespmem:$0x1D000] =	vst v63  }
0xcf: {  	_ =	swait.ge [sflag:s9], $0x4000  }
0xd0: {  	[sflag:s9] =	ssyncset.done $0x0  }
0xd1: {  	s8 =	rddreg [dreg:$0x9];
	[sflag:s9] =	ssyncadd.s32 $0xFFFFC000  }
0xd2: {  	[tilespmem:s12], [sflag:$0x1] =	stream.indirect.gather [hbm4b:s4+s11], $0x80, s8, s11, $0xb8;
	[tilespmem:$0x1D000] =	vst v63  }
0xd3: {  	_ =	swait.ge [sflag:s15], $0x4000  }
0xd4: {  	[sflag:s15] =	ssyncset.done $0x0  }
0xd5: {  	s8 =	rddreg [dreg:$0xa];
	[sflag:s15] =	ssyncadd.s32 $0xFFFFC000  }
0xd6: {  	[spmem:s2] =	stream.indirect.scatter.add.f32 [tilespmem:s13], [sflag:$0x3], $0x80, s8, s11, $0xb8;
	[tilespmem:$0x1D000] =	vst v63  }
0xd7: {  	_ =	swait.ge [sflag:s9], $0x4000  }
0xd8: {  	[sflag:s9] =	ssyncset.done $0x0  }
0xd9: {  	s8 =	rddreg [dreg:$0xb];
	[sflag:s9] =	ssyncadd.s32 $0xFFFFC000  }
0xda: {  	[tilespmem:s13], [sflag:$0x2] =	stream.indirect.gather [hbm4b:s4+s11], $0x80, s8, s11, $0xb8;
	[tilespmem:$0x1D000] =	vst v63  }
0xdb: {  	_ =	swait.ge [sflag:s14], $0x4000  }
0xdc: {  	[sflag:s14] =	ssyncset.done $0x0  }
0xdd: {  	s8 =	rddreg [dreg:$0xc];
	[sflag:s14] =	ssyncadd.s32 $0xFFFFC000  }
0xde: {  	[spmem:s2] =	stream.indirect.scatter.add.f32 [tilespmem:s12], [sflag:$0x3], $0x80, s8, s11, $0xb8;
	[tilespmem:$0x1D000] =	vst v63  }
0xdf: {  	_ =	swait.ge [sflag:s9], $0x4000  }
0xe0: {  	[sflag:s9] =	ssyncset.done $0x0  }
0xe1: {  	s8 =	rddreg [dreg:$0xd];
	[sflag:s9] =	ssyncadd.s32 $0xFFFFC000  }
0xe2: {  	[tilespmem:s12], [sflag:$0x1] =	stream.indirect.gather [hbm4b:s4+s11], $0x80, s8, s11, $0xb8;
	[tilespmem:$0x1D000] =	vst v63  }
0xe3: {  	_ =	swait.ge [sflag:s15], $0x4000  }
0xe4: {  	[sflag:s15] =	ssyncset.done $0x0  }
0xe5: {  	s8 =	rddreg [dreg:$0xe];
	[sflag:s15] =	ssyncadd.s32 $0xFFFFC000  }
0xe6: {  	[spmem:s2] =	stream.indirect.scatter.add.f32 [tilespmem:s13], [sflag:$0x3], $0x80, s8, s11, $0xb8;
	[tilespmem:$0x1D000] =	vst v63  }
0xe7: {  	_ =	swait.ge [sflag:s9], $0x4000  }
0xe8: {  	[sflag:s9] =	ssyncset.done $0x0  }
0xe9: {  	s8 =	rddreg [dreg:$0xf];
	[sflag:s9] =	ssyncadd.s32 $0xFFFFC000  }
0xea: {  	[tilespmem:s13], [sflag:$0x2] =	stream.indirect.gather [hbm4b:s4+s11], $0x80, s8, s11, $0xb8;
	[tilespmem:$0x1D000] =	vst v63  }
0xeb: {  	_ =	swait.ge [sflag:s14], $0x4000  }
0xec: {  	[sflag:s14] =	ssyncset.done $0x0  }
0xed: {  	s8 =	rddreg [dreg:$0x10];
	[sflag:s14] =	ssyncadd.s32 $0xFFFFC000  }
0xee: {  	[spmem:s2] =	stream.indirect.scatter.add.f32 [tilespmem:s12], [sflag:$0x3], $0x80, s8, s11, $0xb8;
	[tilespmem:$0x1D000] =	vst v63  }
0xef: {  	_ =	swait.ge [sflag:s9], $0x4000  }
0xf0: {  	[sflag:s9] =	ssyncset.done $0x0  }
0xf1: {  	[sflag:s9] =	ssyncadd.s32 $0xFFFFC000  }
0xf2: {  	[tilespmem:s12], [sflag:$0x1] =	stream.indirect.gather [hbm4b:s4+s11], $0x80, s16, s11, $0xb8;
	[tilespmem:$0x1D000] =	vst v63  }
0xf3: {  	_ =	swait.ge [sflag:s15], $0x4000  }
0xf4: {  	[sflag:s15] =	ssyncset.done $0x0  }
0xf5: {  	[sflag:s15] =	ssyncadd.s32 $0xFFFFC000  }
0xf6: {  	[spmem:s2] =	stream.indirect.scatter.add.f32 [tilespmem:s13], [sflag:$0x3], $0x80, s17, s11, $0xb8;
	[tilespmem:$0x1D000] =	vst v63  }
0xf7: {  	_ =	swait.ge [sflag:s9], $0x4000  }
0xf8: {  	[sflag:s9] =	ssyncset.done $0x0  }
0xf9: {  	[sflag:s9] =	ssyncadd.s32 $0xFFFFC000  }
0xfa: {  	[tilespmem:s13], [sflag:$0x2] =	stream.indirect.gather [hbm4b:s4+s11], $0x80, s18, s11, $0xb8;
	[tilespmem:$0x1D000] =	vst v63  }
0xfb: {  	_ =	swait.ge [sflag:s14], $0x4000  }
0xfc: {  	[sflag:s14] =	ssyncset.done $0x0  }
0xfd: {  	[sflag:s14] =	ssyncadd.s32 $0xFFFFC000  }
0xfe: {  	[spmem:s2] =	stream.indirect.scatter.add.f32 [tilespmem:s12], [sflag:$0x3], $0x80, s19, s11, $0xb8;
	[tilespmem:$0x1D000] =	vst v63  }
0xff: {  	_ =	swait.ge [sflag:s9], $0x4000  }
0x100: {  	[sflag:s9] =	ssyncset.done $0x0  }
0x101: {  	[sflag:s9] =	ssyncadd.s32 $0xFFFFC000  }
0x102: {  	[tilespmem:s12], [sflag:$0x1] =	stream.indirect.gather [hbm4b:s4+s11], $0x80, s20, s11, $0xb8;
	[tilespmem:$0x1D000] =	vst v63  }
0x103: {  	_ =	swait.ge [sflag:s15], $0x4000  }
0x104: {  	[sflag:s15] =	ssyncset.done $0x0  }
0x105: {  	[sflag:s15] =	ssyncadd.s32 $0xFFFFC000  }
0x106: {  	[spmem:s2] =	stream.indirect.scatter.add.f32 [tilespmem:s13], [sflag:$0x3], $0x80, s21, s11, $0xb8;
	[tilespmem:$0x1D000] =	vst v63  }
0x107: {  	_ =	swait.ge [sflag:s9], $0x4000  }
0x108: {  	[sflag:s9] =	ssyncset.done $0x0  }
0x109: {  	[sflag:s9] =	ssyncadd.s32 $0xFFFFC000  }
0x10a: {  	[tilespmem:s13], [sflag:$0x2] =	stream.indirect.gather [hbm4b:s4+s11], $0x80, s22, s11, $0xb8;
	[tilespmem:$0x1D000] =	vst v63  }
0x10b: {  	_ =	swait.ge [sflag:s14], $0x4000  }
0x10c: {  	[sflag:s14] =	ssyncset.done $0x0  }
0x10d: {  	[sflag:s14] =	ssyncadd.s32 $0xFFFFC000  }
0x10e: {  	[spmem:s2] =	stream.indirect.scatter.add.f32 [tilespmem:s12], [sflag:$0x3], $0x80, s23, s11, $0xb8;
	[tilespmem:$0x1D000] =	vst v63  }
0x10f: {  	_ =	swait.ge [sflag:s9], $0x4000  }
0x110: {  	[sflag:s9] =	ssyncset.done $0x0  }
0x111: {  	[sflag:s9] =	ssyncadd.s32 $0xFFFFC000  }
0x112: {  	[tilespmem:s12], [sflag:$0x1] =	stream.indirect.gather [hbm4b:s4+s11], $0x80, s25, s11, $0xb8;
	[tilespmem:$0x1D000] =	vst v63  }
0x113: {  	_ =	swait.ge [sflag:s15], $0x4000  }
0x114: {  	[sflag:s15] =	ssyncset.done $0x0  }
0x115: {  	[sflag:s15] =	ssyncadd.s32 $0xFFFFC000  }
0x116: {  	[spmem:s2] =	stream.indirect.scatter.add.f32 [tilespmem:s13], [sflag:$0x3], $0x80, s26, s11, $0xb8;
	[tilespmem:$0x1D000] =	vst v63  }
0x117: {  	_ =	swait.ge [sflag:s9], $0x4000  }
0x118: {  	[sflag:s9] =	ssyncset.done $0x0  }
0x119: {  	[sflag:s9] =	ssyncadd.s32 $0xFFFFC000  }
0x11a: {  	[tilespmem:s13], [sflag:$0x2] =	stream.indirect.gather [hbm4b:s4+s11], $0x80, s28, s11, $0xb8;
	[tilespmem:$0x1D000] =	vst v63  }
0x11b: {  	_ =	swait.ge [sflag:s14], $0x4000  }
0x11c: {  	[sflag:s14] =	ssyncset.done $0x0  }
0x11d: {  	[sflag:s14] =	ssyncadd.s32 $0xFFFFC000  }
0x11e: {  	[spmem:s2] =	stream.indirect.scatter.add.f32 [tilespmem:s12], [sflag:$0x3], $0x80, s29, s11, $0xb8;
	[tilespmem:$0x1D000] =	vst v63  }
0x11f: {  	_ =	swait.ge [sflag:s9], $0x4000  }
0x120: {  	[sflag:s9] =	ssyncset.done $0x0  }
0x121: {  	[sflag:s9] =	ssyncadd.s32 $0xFFFFC000  }
0x122: {  	[tilespmem:s12], [sflag:$0x1] =	stream.indirect.gather [hbm4b:s4+s11], $0x80, s30, s11, $0xb8;
	[tilespmem:$0x1D000] =	vst v63  }
0x123: {  	_ =	swait.ge [sflag:s15], $0x4000  }
0x124: {  	[sflag:s15] =	ssyncset.done $0x0  }
0x125: {  	[sflag:s15] =	ssyncadd.s32 $0xFFFFC000  }
0x126: {  	[spmem:s2] =	stream.indirect.scatter.add.f32 [tilespmem:s13], [sflag:$0x3], $0x80, s31, s11, $0xb8;
	[tilespmem:$0x1D000] =	vst v63  }
0x127: {  	_ =	swait.ge [sflag:s9], $0x4000  }
0x128: {  	[sflag:s9] =	ssyncset.done $0x0  }
0x129: {  	[sflag:s9] =	ssyncadd.s32 $0xFFFFC000  }
0x12a: {  	[tilespmem:s13], [sflag:$0x2] =	stream.indirect.gather [hbm4b:s4+s11], $0x80, s1, s11, $0xb8;
	[tilespmem:$0x1D000] =	vst v63  }
0x12b: {  	_ =	swait.ge [sflag:s14], $0x4000  }
0x12c: {  	[sflag:s14] =	ssyncset.done $0x0  }
0x12d: {  	[sflag:s14] =	ssyncadd.s32 $0xFFFFC000  }
0x12e: {  	[spmem:s2] =	stream.indirect.scatter.add.f32 [tilespmem:s12], [sflag:$0x3], $0x80, s0, s11, $0xb8;
	[tilespmem:$0x1D000] =	vst v63  }
0x12f: {  	_ =	swait.ge [sflag:s9], $0x4000  }
0x130: {  	[sflag:s9] =	ssyncset.done $0x0  }
0x131: {  	[sflag:s9] =	ssyncadd.s32 $0xFFFFC000  }
0x132: {  	p0 =	sne.s32 s6, $0x400;
	_ =	swait.ge [sflag:s15], $0x4000  }
.Ltmp0:
0x133: {  	[sflag:s15] =	ssyncset.done $0x0;
	(pc) =	sbr.rel @p0 .LBB2_2-.Ltmp0, $4  }
0x134: {  	[sflag:s15] =	ssyncadd.s32 $0xFFFFC000  }
0x135: {  	[spmem:s2] =	stream.indirect.scatter.add.f32 [tilespmem:s13], [sflag:$0x3], $0x80, s5, s11, $0xb8;
	[tilespmem:$0x1D000] =	vst v63  }
0x136: {  	s7 =	smov.u32 s6;
	s6 =	sadd.s32 $0x100, s6;
	_ =	swait.ge [sflag:s9], $0x4000  }
0x137: {  	s24 =	smov.u32 s7;
	s8 =	rddreg [dreg:$0x4];
	[sflag:s9] =	ssyncset.done $0x0  }
0x138: {  	[sflag:s9] =	ssyncadd.s32 $0xFFFFC000;
	s6 =	sadd.s32 s24, s8  }
0x139: {  	[tilespmem:s3], [sflag:$0x3] =	stream.linear.gather [hbm4b:s6+s3], $0x800, $0x38;
	[tilespmem:$0x1D000] =	vst v63  }
0x13a: {  	_ =	swait.ge [sflag:s9], $0x800  }
0x13b: {  	s8 =	rddreg [dreg:$0x3];
	[sflag:s9] =	ssyncset.done $0x0  }
0x13c: {  	s6 =	sadd.s32 s24, s8;
	[sflag:s9] =	ssyncadd.s32 $0xFFFFF800  }
0x13d: {  	[tilespmem:s10], [sflag:$0x3] =	stream.linear.gather [hbm4b:s6+s3], $0x800, $0x38;
	[tilespmem:$0x1D000] =	vst v63  }
0x13e: {  	_ =	swait.ge [sflag:s9], $0x800  }
0x13f: {  	[sflag:s9] =	ssyncset.done $0x0  }
0x140: {  	[sflag:s9] =	ssyncadd.s32 $0xFFFFF800  }
0x141: {  	[tilespmem:s12], [sflag:$0x1] =	stream.indirect.gather [hbm4b:s4+s11], $0x80, s3, s11, $0xb8;
	[tilespmem:$0x1D000] =	vst v63  }
0x142: {  	_ = 	snop  }
0x143: {  	[tilespmem:s13], [sflag:$0x2] =	stream.indirect.gather [hbm4b:s4+s11], $0x80, s11, s11, $0xb8;
	[tilespmem:$0x1D000] =	vst v63  }
0x144: {  	_ =	swait.ge [sflag:s14], $0x4000  }
0x145: {  	[sflag:s14] =	ssyncset.done $0x0  }
0x146: {  	[sflag:s14] =	ssyncadd.s32 $0xFFFFC000  }
0x147: {  	[spmem:s2] =	stream.indirect.scatter.add.f32 [tilespmem:s12], [sflag:$0x3], $0x80, s10, s11, $0xb8;
	[tilespmem:$0x1D000] =	vst v63  }
0x148: {  	_ =	swait.ge [sflag:s9], $0x4000  }
0x149: {  	[sflag:s9] =	ssyncset.done $0x0  }
0x14a: {  	s24 =	rddreg [dreg:$0x5];
	[sflag:s9] =	ssyncadd.s32 $0xFFFFC000  }
0x14b: {  	[tilespmem:s12], [sflag:$0x1] =	stream.indirect.gather [hbm4b:s4+s11], $0x80, s24, s11, $0xb8;
	[tilespmem:$0x1D000] =	vst v63  }
0x14c: {  	_ =	swait.ge [sflag:s15], $0x4000  }
0x14d: {  	[sflag:s15] =	ssyncset.done $0x0  }
0x14e: {  	s7 =	rddreg [dreg:$0x6];
	[sflag:s15] =	ssyncadd.s32 $0xFFFFC000  }
0x14f: {  	[spmem:s2] =	stream.indirect.scatter.add.f32 [tilespmem:s13], [sflag:$0x3], $0x80, s7, s11, $0xb8;
	[tilespmem:$0x1D000] =	vst v63  }
0x150: {  	_ =	swait.ge [sflag:s9], $0x4000  }
0x151: {  	[sflag:s9] =	ssyncset.done $0x0  }
0x152: {  	s8 =	rddreg [dreg:$0x7];
	[sflag:s9] =	ssyncadd.s32 $0xFFFFC000  }
0x153: {  	[tilespmem:s13], [sflag:$0x2] =	stream.indirect.gather [hbm4b:s4+s11], $0x80, s8, s11, $0xb8;
	[tilespmem:$0x1D000] =	vst v63  }
0x154: {  	_ =	swait.ge [sflag:s14], $0x4000  }
0x155: {  	[sflag:s14] =	ssyncset.done $0x0  }
0x156: {  	s24 =	rddreg [dreg:$0x8];
	[sflag:s14] =	ssyncadd.s32 $0xFFFFC000  }
0x157: {  	[spmem:s2] =	stream.indirect.scatter.add.f32 [tilespmem:s12], [sflag:$0x3], $0x80, s24, s11, $0xb8;
	[tilespmem:$0x1D000] =	vst v63  }
0x158: {  	_ =	swait.ge [sflag:s9], $0x4000  }
0x159: {  	[sflag:s9] =	ssyncset.done $0x0  }
0x15a: {  	s7 =	rddreg [dreg:$0x9];
	[sflag:s9] =	ssyncadd.s32 $0xFFFFC000  }
0x15b: {  	[tilespmem:s12], [sflag:$0x1] =	stream.indirect.gather [hbm4b:s4+s11], $0x80, s7, s11, $0xb8;
	[tilespmem:$0x1D000] =	vst v63  }
0x15c: {  	_ =	swait.ge [sflag:s15], $0x4000  }
0x15d: {  	[sflag:s15] =	ssyncset.done $0x0  }
0x15e: {  	s8 =	rddreg [dreg:$0xa];
	[sflag:s15] =	ssyncadd.s32 $0xFFFFC000  }
0x15f: {  	[spmem:s2] =	stream.indirect.scatter.add.f32 [tilespmem:s13], [sflag:$0x3], $0x80, s8, s11, $0xb8;
	[tilespmem:$0x1D000] =	vst v63  }
0x160: {  	_ =	swait.ge [sflag:s9], $0x4000  }
0x161: {  	[sflag:s9] =	ssyncset.done $0x0  }
0x162: {  	s24 =	rddreg [dreg:$0xb];
	[sflag:s9] =	ssyncadd.s32 $0xFFFFC000  }
0x163: {  	[tilespmem:s13], [sflag:$0x2] =	stream.indirect.gather [hbm4b:s4+s11], $0x80, s24, s11, $0xb8;
	[tilespmem:$0x1D000] =	vst v63  }
0x164: {  	_ =	swait.ge [sflag:s14], $0x4000  }
0x165: {  	[sflag:s14] =	ssyncset.done $0x0  }
0x166: {  	s7 =	rddreg [dreg:$0xc];
	[sflag:s14] =	ssyncadd.s32 $0xFFFFC000  }
0x167: {  	[spmem:s2] =	stream.indirect.scatter.add.f32 [tilespmem:s12], [sflag:$0x3], $0x80, s7, s11, $0xb8;
	[tilespmem:$0x1D000] =	vst v63  }
0x168: {  	_ =	swait.ge [sflag:s9], $0x4000  }
0x169: {  	[sflag:s9] =	ssyncset.done $0x0  }
0x16a: {  	s8 =	rddreg [dreg:$0xd];
	[sflag:s9] =	ssyncadd.s32 $0xFFFFC000  }
0x16b: {  	[tilespmem:s12], [sflag:$0x1] =	stream.indirect.gather [hbm4b:s4+s11], $0x80, s8, s11, $0xb8;
	[tilespmem:$0x1D000] =	vst v63  }
0x16c: {  	_ =	swait.ge [sflag:s15], $0x4000  }
0x16d: {  	[sflag:s15] =	ssyncset.done $0x0  }
0x16e: {  	s24 =	rddreg [dreg:$0xe];
	[sflag:s15] =	ssyncadd.s32 $0xFFFFC000  }
0x16f: {  	[spmem:s2] =	stream.indirect.scatter.add.f32 [tilespmem:s13], [sflag:$0x3], $0x80, s24, s11, $0xb8;
	[tilespmem:$0x1D000] =	vst v63  }
0x170: {  	_ =	swait.ge [sflag:s9], $0x4000  }
0x171: {  	[sflag:s9] =	ssyncset.done $0x0  }
0x172: {  	s7 =	rddreg [dreg:$0xf];
	[sflag:s9] =	ssyncadd.s32 $0xFFFFC000  }
0x173: {  	[tilespmem:s13], [sflag:$0x2] =	stream.indirect.gather [hbm4b:s4+s11], $0x80, s7, s11, $0xb8;
	[tilespmem:$0x1D000] =	vst v63  }
0x174: {  	_ =	swait.ge [sflag:s14], $0x4000  }
0x175: {  	[sflag:s14] =	ssyncset.done $0x0  }
0x176: {  	s8 =	rddreg [dreg:$0x10];
	[sflag:s14] =	ssyncadd.s32 $0xFFFFC000  }
0x177: {  	[spmem:s2] =	stream.indirect.scatter.add.f32 [tilespmem:s12], [sflag:$0x3], $0x80, s8, s11, $0xb8;
	[tilespmem:$0x1D000] =	vst v63  }
0x178: {  	_ =	swait.ge [sflag:s9], $0x4000  }
0x179: {  	[sflag:s9] =	ssyncset.done $0x0  }
0x17a: {  	[sflag:s9] =	ssyncadd.s32 $0xFFFFC000  }
0x17b: {  	[tilespmem:s12], [sflag:$0x1] =	stream.indirect.gather [hbm4b:s4+s11], $0x80, s16, s11, $0xb8;
	[tilespmem:$0x1D000] =	vst v63  }
0x17c: {  	_ =	swait.ge [sflag:s15], $0x4000  }
0x17d: {  	[sflag:s15] =	ssyncset.done $0x0  }
0x17e: {  	[sflag:s15] =	ssyncadd.s32 $0xFFFFC000  }
0x17f: {  	[spmem:s2] =	stream.indirect.scatter.add.f32 [tilespmem:s13], [sflag:$0x3], $0x80, s17, s11, $0xb8;
	[tilespmem:$0x1D000] =	vst v63  }
0x180: {  	_ =	swait.ge [sflag:s9], $0x4000  }
0x181: {  	[sflag:s9] =	ssyncset.done $0x0  }
0x182: {  	[sflag:s9] =	ssyncadd.s32 $0xFFFFC000  }
0x183: {  	[tilespmem:s13], [sflag:$0x2] =	stream.indirect.gather [hbm4b:s4+s11], $0x80, s18, s11, $0xb8;
	[tilespmem:$0x1D000] =	vst v63  }
0x184: {  	_ =	swait.ge [sflag:s14], $0x4000  }
0x185: {  	[sflag:s14] =	ssyncset.done $0x0  }
0x186: {  	[sflag:s14] =	ssyncadd.s32 $0xFFFFC000  }
0x187: {  	[spmem:s2] =	stream.indirect.scatter.add.f32 [tilespmem:s12], [sflag:$0x3], $0x80, s19, s11, $0xb8;
	[tilespmem:$0x1D000] =	vst v63  }
0x188: {  	_ =	swait.ge [sflag:s9], $0x4000  }
0x189: {  	[sflag:s9] =	ssyncset.done $0x0  }
0x18a: {  	[sflag:s9] =	ssyncadd.s32 $0xFFFFC000  }
0x18b: {  	[tilespmem:s12], [sflag:$0x1] =	stream.indirect.gather [hbm4b:s4+s11], $0x80, s20, s11, $0xb8;
	[tilespmem:$0x1D000] =	vst v63  }
0x18c: {  	_ =	swait.ge [sflag:s15], $0x4000  }
0x18d: {  	[sflag:s15] =	ssyncset.done $0x0  }
0x18e: {  	[sflag:s15] =	ssyncadd.s32 $0xFFFFC000  }
0x18f: {  	[spmem:s2] =	stream.indirect.scatter.add.f32 [tilespmem:s13], [sflag:$0x3], $0x80, s21, s11, $0xb8;
	[tilespmem:$0x1D000] =	vst v63  }
0x190: {  	_ =	swait.ge [sflag:s9], $0x4000  }
0x191: {  	[sflag:s9] =	ssyncset.done $0x0  }
0x192: {  	[sflag:s9] =	ssyncadd.s32 $0xFFFFC000  }
0x193: {  	[tilespmem:s13], [sflag:$0x2] =	stream.indirect.gather [hbm4b:s4+s11], $0x80, s22, s11, $0xb8;
	[tilespmem:$0x1D000] =	vst v63  }
0x194: {  	_ =	swait.ge [sflag:s14], $0x4000  }
0x195: {  	[sflag:s14] =	ssyncset.done $0x0  }
0x196: {  	[sflag:s14] =	ssyncadd.s32 $0xFFFFC000  }
0x197: {  	[spmem:s2] =	stream.indirect.scatter.add.f32 [tilespmem:s12], [sflag:$0x3], $0x80, s23, s11, $0xb8;
	[tilespmem:$0x1D000] =	vst v63  }
0x198: {  	_ =	swait.ge [sflag:s9], $0x4000  }
0x199: {  	[sflag:s9] =	ssyncset.done $0x0  }
0x19a: {  	[sflag:s9] =	ssyncadd.s32 $0xFFFFC000  }
0x19b: {  	[tilespmem:s12], [sflag:$0x1] =	stream.indirect.gather [hbm4b:s4+s11], $0x80, s25, s11, $0xb8;
	[tilespmem:$0x1D000] =	vst v63  }
0x19c: {  	_ =	swait.ge [sflag:s15], $0x4000  }
0x19d: {  	[sflag:s15] =	ssyncset.done $0x0  }
0x19e: {  	[sflag:s15] =	ssyncadd.s32 $0xFFFFC000  }
0x19f: {  	[spmem:s2] =	stream.indirect.scatter.add.f32 [tilespmem:s13], [sflag:$0x3], $0x80, s26, s11, $0xb8;
	[tilespmem:$0x1D000] =	vst v63  }
0x1a0: {  	_ =	swait.ge [sflag:s9], $0x4000  }
0x1a1: {  	[sflag:s9] =	ssyncset.done $0x0  }
0x1a2: {  	[sflag:s9] =	ssyncadd.s32 $0xFFFFC000  }
0x1a3: {  	[tilespmem:s13], [sflag:$0x2] =	stream.indirect.gather [hbm4b:s4+s11], $0x80, s28, s11, $0xb8;
	[tilespmem:$0x1D000] =	vst v63  }
0x1a4: {  	_ =	swait.ge [sflag:s14], $0x4000  }
0x1a5: {  	[sflag:s14] =	ssyncset.done $0x0  }
0x1a6: {  	[sflag:s14] =	ssyncadd.s32 $0xFFFFC000  }
0x1a7: {  	[spmem:s2] =	stream.indirect.scatter.add.f32 [tilespmem:s12], [sflag:$0x3], $0x80, s29, s11, $0xb8;
	[tilespmem:$0x1D000] =	vst v63  }
0x1a8: {  	_ =	swait.ge [sflag:s9], $0x4000  }
0x1a9: {  	[sflag:s9] =	ssyncset.done $0x0  }
0x1aa: {  	[sflag:s9] =	ssyncadd.s32 $0xFFFFC000  }
0x1ab: {  	[tilespmem:s12], [sflag:$0x1] =	stream.indirect.gather [hbm4b:s4+s11], $0x80, s30, s11, $0xb8;
	[tilespmem:$0x1D000] =	vst v63  }
0x1ac: {  	_ =	swait.ge [sflag:s15], $0x4000  }
0x1ad: {  	[sflag:s15] =	ssyncset.done $0x0  }
0x1ae: {  	[sflag:s15] =	ssyncadd.s32 $0xFFFFC000  }
0x1af: {  	[spmem:s2] =	stream.indirect.scatter.add.f32 [tilespmem:s13], [sflag:$0x3], $0x80, s31, s11, $0xb8;
	[tilespmem:$0x1D000] =	vst v63  }
0x1b0: {  	_ =	swait.ge [sflag:s9], $0x4000  }
0x1b1: {  	[sflag:s9] =	ssyncset.done $0x0  }
0x1b2: {  	[sflag:s9] =	ssyncadd.s32 $0xFFFFC000  }
0x1b3: {  	[tilespmem:s13], [sflag:$0x2] =	stream.indirect.gather [hbm4b:s4+s11], $0x80, s1, s11, $0xb8;
	[tilespmem:$0x1D000] =	vst v63  }
0x1b4: {  	_ =	swait.ge [sflag:s14], $0x4000  }
0x1b5: {  	[sflag:s14] =	ssyncset.done $0x0  }
0x1b6: {  	[sflag:s14] =	ssyncadd.s32 $0xFFFFC000  }
0x1b7: {  	[spmem:s2] =	stream.indirect.scatter.add.f32 [tilespmem:s12], [sflag:$0x3], $0x80, s0, s11, $0xb8;
	[tilespmem:$0x1D000] =	vst v63  }
0x1b8: {  	_ =	swait.ge [sflag:s9], $0x4000  }
0x1b9: {  	[sflag:s9] =	ssyncset.done $0x0  }
0x1ba: {  	[sflag:s9] =	ssyncadd.s32 $0xFFFFC000  }
0x1bb: {  	_ =	swait.ge [sflag:s15], $0x4000  }
0x1bc: {  	[sflag:s15] =	ssyncset.done $0x0  }
0x1bd: {  	[sflag:s15] =	ssyncadd.s32 $0xFFFFC000  }
0x1be: {  	[spmem:s2] =	stream.indirect.scatter.add.f32 [tilespmem:s13], [sflag:$0x3], $0x80, s5, s11, $0xb8;
	[tilespmem:$0x1D000] =	vst v63  }
0x1bf: {  	_ =	swait.ge [sflag:s9], $0x4000  }
0x1c0: {  	[sflag:s9] =	ssyncset.done $0x0  }
0x1c1: {  	[sflag:s9] =	ssyncadd.s32 $0xFFFFC000  }
0x1c2: {  	[bflag:$0x0] =	sbarrier.arrive $0xFFFF  }
0x1c3: {  	s8 =	rddreg [dreg:$0x12]  }
0x1c4: {  	s7 =	rddreg [dreg:$0x14]  }
0x1c5: {  	s24 =	rddreg [dreg:$0x15]  }
0x1c6: {  	[hbm:s24], [sflag:s8] =	dma.local [spmem:s7], $0x2800  }
0x1c7: {  	_ =	swait.ge [sflag:s9], $0x2800  }
0x1c8: {  	s6 =	rddreg [dreg:$0x16]  }
0x1c9: {  	s24 =	sadd.s32 $0x1, s6;
	s6 =	rddreg [dreg:$0x13]  }
0x1ca: {  	p0 =	sne.s32 s24, s6  }
.Ltmp1:
0x1cb: {  	_ = 	snop;
	(pc) =	sbr.rel @p0 .LBB2_1-.Ltmp1, $3  }
0x1cc: {  	_ =	sdelay $0x1  }
0x1cd: {  	[sflag:s9] =	ssyncset.done $0x0  }
0x1ce: {  	[sflag:s9] =	ssyncadd.s32 $0xFFFFD800  }
0x1cf: {  	_ =	sfence.sel $0x180000  }
0x1d0: {  	[bflag:$0x0] =	sbarrier.arrive $0xFFFF  }
0x1d1: {  	_ =	strace $0x9000004A  }
0x1d2: {  	s0 =	stileid.u32;
	[bflag:$0x2] =	sbarrier.arrive $0xFFFF  }
0x1d3: {  	p0 =	sne.s32 s0, $0x0;
	s0 =	rddreg [dreg:$0x2]  }
0x1d4: {  	s0 =	sadd.s32 @!p0 $0x100000, s0  }
0x1d5: {  	[sflag:s0] =	ssyncadd.tile.s32 @!p0 $0x1;
	_ =	shalt  }
.Lfunc_end2:
_tile_overlayer_lowered:
.L_overlay_start_2:
0x1d6: {  	(tag) =	ssettag $0x2  }
0x1d7: {  	s0 =	rddreg [dreg:$0x0];
	s2 =	stileid.u32  }
0x1d8: {  	s1 =	rddreg [dreg:$0x1];
	p0 =	sne.s32 s2, $0x0  }
0x1d9: {  	s3 =	rddreg [dreg:$0x2];
	[bflag:$0x3] =	sbarrier.arrive $0xFFFF;
	s2 =	simm.s32 @!p0 $0x1C03  }
0x1da: {  	[timem:s3], [sflag:s2] =	dma.local @!p0 [hbm:s0], s1  }
0x1db: {  	s0 =	simm.s32 @!p0 $0x3  }
0x1dc: {  	_ =	swait.ge @!p0 [sflag:s0], s1  }
0x1dd: {  	s1 =	ssub.s32 @!p0 $0x0, s1;
	[sflag:s0] =	ssyncset.done @!p0 $0x0  }
0x1de: {  	[sflag:s0] =	ssyncadd.s32 @!p0 s1  }
0x1df: {  	[bflag:$0x3] =	sbarrier.arrive $0xFFFF  }
0x1e0: {  	_ =	shalt  }

// kernel: kernel.14.cloned.1.call-start
scs
__scs_entry_jumppad:
0x0: {  	(pc) =	sbr.rel $0x88, $3  }
0x1: {  	(tag) =	ssettag $0x0;
	lr =	simm.s32 $0x1  }
0x2: {  	[smem:$0x3F9B] =	sst lr;
	_ =	strace $0xD0000000  }
0x3: {  	_ = 	snop  }
0x4: {  	_ = 	snop  }
0x5: {  	_ = 	snop  }
0x6: {  	_ = 	snop  }
0x7: {  	_ = 	snop  }
__scs_overlays_trampoline_lowered:
0x8: {  	[smem:$0x3FAA] =	sst s0  }
0x9: {  	[smem:$0x3FAB] =	sst s1  }
0xa: {  	[smem:$0x3FAC] =	sst s2  }
0xb: {  	[smem:$0x3FAD] =	sst s3  }
0xc: {  	[smem:$0x3FAE] =	sst s4  }
0xd: {  	[smem:$0x3FAF] =	sst s5  }
0xe: {  	[smem:$0x3FB0] =	sst s6  }
0xf: {  	[smem:$0x3FB1] =	sst s7  }
0x10: {  	[smem:$0x3FB2] =	sst s8  }
0x11: {  	[smem:$0x3FB3] =	sst s9;
	s0 =	simm.s32 @!p0 $0x0  }
0x12: {  	s1 =	sld [smem:$0x3F99];
	s0 =	simm.s32 @p0 $0x1  }
0x13: {  	[smem:$0x3FB4] =	sst s0;
	s0 =	simm.s32 @!p1 $0x0  }
0x14: {  	s2 =	sld [smem:$0x3F98];
	s0 =	simm.s32 @p1 $0x1  }
0x15: {  	[smem:$0x3FB5] =	sst s0;
	s0 =	simm.s32 @!p2 $0x0  }
0x16: {  	s3 =	sld [smem:$0x3FDB];
	s0 =	simm.s32 @p2 $0x1  }
0x17: {  	s4 =	simm.s32 $0x1BF5;
	[smem:$0x3FB7] =	sst s0  }
0x18: {  	s0 =	sld [smem:$0x3F9A];
	_ =	swait.ge [sflag:s4], $0x0  }
0x19: {  	s7 =	sld [smem:$0x3F9B]  }
0x1a: {  	s8 =	sadd.s32 $0xFFFFE003, lr  }
0x1b: {  	s9 =	sadd.s32 $0xFFFFFEF7, lr;
	s5 =	simm.s32 $0xFFFFFFFF;
	p2 =	slt.u32 s8, $0xFFFFF086  }
0x1c: {  	p1 =	slt.u32 s9, $0xF7A;
	s5 =	simm.s32 @!p2 $0x0  }
0x1d: {  	s5 =	simm.s32 @p1 $0x1;
	p0 =	seq.s32 s7, s2  }
0x1e: {  	s7 =	smul.u32 @!p0 $0xF7A, s2;
	p2 =	seq.s32 @!p0 s5, $0x0  }
0x1f: {  	s9 =	smul.u32 $0xF7A, s1;
	s8 =	simm.s32 @!p0 $0x1BF5;
	p2 =	por !p2, p0  }
0x20: {  	[sflag:s8] =	ssyncset.s32 @!p0 $0xFFFFF086;
	s6 =	sadd.s32 @!p0 s3, s7;
	s7 =	simm.s32 @!p0 $0x108  }
0x21: {  	s3 =	sadd.s32 s3, s9;
	s6 =	sadd.s32 @!p0 $0x88, s6;
	s7 =	simm.s32 @p2 $0x1082  }
0x22: {  	[simem:s7], [sflag:s8] =	dma.local @!p0 [hbm:s6], $0xF7A  }
0x23: {  	s9 =	sor.u32 $0xD0000000, s2;
	s6 =	simm.s32 $0x108;
	_ =	swait.ge @!p0 [sflag:s8], $0x0  }
0x24: {  	s3 =	sadd.s32 $0x88, s3;
	s6 =	simm.s32 @!p1 $0x1082;
	[sflag:s4] =	ssyncset.s32 $0xFFFFF086  }
0x25: {  	[simem:s6], [sflag:s4] =	dma.local [hbm:s3], $0xF7A  }
0x26: {  	[smem:$0x3F9B] =	sst s1;
	(tag) =	ssettag s2;
	_ =	strace s9  }
0x27: {  	s1 =	sld [smem:$0x3FAB]  }
0x28: {  	s2 =	sld [smem:$0x3FAC]  }
0x29: {  	s4 =	sld [smem:$0x3FAE]  }
0x2a: {  	p0 =	seq.s32 s5, $0x0;
	s5 =	sld [smem:$0x3FAF]  }
0x2b: {  	s6 =	sld [smem:$0x3FB0]  }
0x2c: {  	s7 =	sld [smem:$0x3FB1]  }
0x2d: {  	s3 =	simm.s32 $0x108;
	s8 =	sld [smem:$0x3FB2]  }
0x2e: {  	s3 =	simm.s32 @!p0 $0x1082;
	s9 =	sld [smem:$0x3FB3]  }
0x2f: {  	lr =	sadd.s32 s0, s3;
	s0 =	sld [smem:$0x3FAA]  }
0x30: {  	s3 =	sld [smem:$0x3FAD]  }
0x31: {  	[smem:$0x3FB6] =	sst s10  }
0x32: {  	s10 =	sld [smem:$0x3FB4];
	_ =	sdelay $0x3  }
0x33: {  	p0 =	seq.s32 s10, $0x1;
	s10 =	sld [smem:$0x3FB6];
	_ =	sdelay $0x3  }
0x34: {  	[smem:$0x3FB6] =	sst s10  }
0x35: {  	s10 =	sld [smem:$0x3FB5];
	_ =	sdelay $0x3  }
0x36: {  	p1 =	seq.s32 s10, $0x1;
	s10 =	sld [smem:$0x3FB6];
	_ =	sdelay $0x3  }
0x37: {  	[smem:$0x3FB6] =	sst s10  }
0x38: {  	s10 =	sld [smem:$0x3FB7]  }
0x39: {  	_ = 	snop;
	(pc) =	sbr.ind lr, $3  }
0x3a: {  	_ = 	snop  }
0x3b: {  	_ = 	snop  }
0x3c: {  	p2 =	seq.s32 s10, $0x1;
	s10 =	sld [smem:$0x3FB6]  }
0x3d: {  	_ =	shalt  }
0x3e: {  	_ =	shalt  }
0x3f: {  	_ =	shalt  }
0x40: {  	_ =	shalt  }
0x41: {  	_ =	shalt  }
0x42: {  	_ =	shalt  }
0x43: {  	_ =	shalt  }
0x44: {  	_ =	shalt  }
0x45: {  	_ =	shalt  }
0x46: {  	_ =	shalt  }
0x47: {  	_ =	shalt  }
0x48: {  	_ =	shalt  }
0x49: {  	_ =	shalt  }
0x4a: {  	_ =	shalt  }
0x4b: {  	_ =	shalt  }
0x4c: {  	_ =	shalt  }
0x4d: {  	_ =	shalt  }
0x4e: {  	_ =	shalt  }
0x4f: {  	_ =	shalt  }
0x50: {  	_ =	shalt  }
0x51: {  	_ =	shalt  }
0x52: {  	_ =	shalt  }
0x53: {  	_ =	shalt  }
0x54: {  	_ =	shalt  }
0x55: {  	_ =	shalt  }
0x56: {  	_ =	shalt  }
0x57: {  	_ =	shalt  }
0x58: {  	_ =	shalt  }
0x59: {  	_ =	shalt  }
0x5a: {  	_ =	shalt  }
0x5b: {  	_ =	shalt  }
0x5c: {  	_ =	shalt  }
0x5d: {  	_ =	shalt  }
0x5e: {  	_ =	shalt  }
0x5f: {  	_ =	shalt  }
0x60: {  	_ =	shalt  }
0x61: {  	_ =	shalt  }
0x62: {  	_ =	shalt  }
0x63: {  	_ =	shalt  }
0x64: {  	_ =	shalt  }
0x65: {  	_ =	shalt  }
0x66: {  	_ =	shalt  }
0x67: {  	_ =	shalt  }
0x68: {  	_ =	shalt  }
0x69: {  	_ =	shalt  }
0x6a: {  	_ =	shalt  }
0x6b: {  	_ =	shalt  }
0x6c: {  	_ =	shalt  }
0x6d: {  	_ =	shalt  }
0x6e: {  	_ =	shalt  }
0x6f: {  	_ =	shalt  }
0x70: {  	_ =	shalt  }
0x71: {  	_ =	shalt  }
0x72: {  	_ =	shalt  }
0x73: {  	_ =	shalt  }
0x74: {  	_ =	shalt  }
0x75: {  	_ =	shalt  }
0x76: {  	_ =	shalt  }
0x77: {  	_ =	shalt  }
0x78: {  	_ =	shalt  }
0x79: {  	_ =	shalt  }
0x7a: {  	_ =	shalt  }
0x7b: {  	_ =	shalt  }
0x7c: {  	_ =	shalt  }
0x7d: {  	_ =	shalt  }
0x7e: {  	_ =	shalt  }
0x7f: {  	_ =	shalt  }
0x80: {  	_ =	shalt  }
0x81: {  	_ =	shalt  }
0x82: {  	_ =	shalt  }
0x83: {  	_ =	shalt  }
0x84: {  	_ =	shalt  }
0x85: {  	_ =	shalt  }
0x86: {  	_ =	shalt  }
0x87: {  	_ =	shalt  }
.Lfunc_end0:
.L_simem_size_0:
called_computation.2_lowered:
.L_overlay_start_0:
0x88: {  	s2 =	sld [smem:$0x3FD9]  }
0x89: {  	s3 =	sld [smem:$0x3FFE];
	_ =	sdelay $0x1  }
0x8a: {  	s1 =	srdreg.scid  }
0x8b: {  	s0 =	sand.u32 $0x1, s1  }
0x8c: {  	s16 =	sshll.u32 s0, $0xA;
	s2 =	sadd.s32 s3, s2  }
0x8d: {  	s2 =	sadd.s32 s2, s16  }
0x8e: {  	[smem:$0x3FC2] =	sst s2  }
0x8f: {  	_ = 	snop  }
0x90: {  	(tm) =	ssettm $0x1  }
0x91: {  	s17 =	sld [smem:$0x3FFB];
	_ =	sdelay $0x3  }
0x92: {  	_ =	strace s17  }
0x93: {  	s2 =	sld [smem:$0x3FFC];
	_ =	sdelay $0x3  }
0x94: {  	_ =	strace s2  }
0x95: {  	s2 =	sld [smem:$0x3FFD];
	_ =	sdelay $0x3  }
0x96: {  	_ =	strace s2  }
0x97: {  	_ =	strace $0x8FFFFFFF  }
0x98: {  	s18 =	sld [smem:$0x3FDB];
	_ =	sdelay $0x1  }
0x99: {  	s19 =	simm.s32 $_scs_section_size  }
0x9a: {  	s4 =	simm.s32 $_size__tile_overlayer_lowered;
	s5 =	simm.s32 $_tile_overlayer_lowered  }
0x9b: {  	s22 =	simm.s32 $0x1BFF;
	s21 =	sshll.u32 s5, $0x1;
	s2 =	sadd.s32 s19, s18  }
0x9c: {  	s6 =	simm.s32 $0x0;
	s20 =	sshll.u32 s4, $0x1;
	s4 =	sadd.s32 s21, s2  }
0x9d: {  	[timem:s6], [sflag:s22] =	dma.local [hbm:s4], s20  }
0x9e: {  	_ =	swait.ge [sflag:s22], s20  }
0x9f: {  	s3 =	ssub.s32 $0x0, s20;
	[sflag:s22] =	ssyncset.done $0x0  }
0xa0: {  	[sflag:s22] =	ssyncadd.s32 s3;
	_ =	sdelay $0x1  }
0xa1: {  	s23 =	simm.s32 $0x1B8B  }
0xa2: {  	_ =	swait.ge [sflag:s23], $0x1  }
0xa3: {  	[sflag:s23] =	ssyncset.done $0x0  }
0xa4: {  	s25 =	simm.s32 $0x1B8E;
	s24 =	sld [smem:$0x3FFE];
	[sflag:s23] =	ssyncadd.s32 $0xFFFFFFFF  }
0xa5: {  	s26 =	simm.s32 $execute0_lowered;
	[smem:$0x3FD2] =	sst s25  }
0xa6: {  	s4 =	sshll.u32 s26, $0x1;
	_ =	strace $0x8000004C;
	[dreg:$0x1] =	wrdreg $0xFFFFFFFF  }
0xa7: {  	s28 =	simm.s32 $_size_execute0_lowered;
	s2 =	sadd.s32 s2, s4;
	[dreg:$0x0] =	wrdreg $0x0  }
0xa8: {  	s4 =	sshll.u32 s28, $0x1;
	[dreg:$0x2] =	wrdreg s2  }
0xa9: {  	[dreg:$0x3] =	wrdreg s4  }
0xaa: {  	[dreg:$0x4] =	wrdreg $0xC0  }
0xab: {  	_ =	task [dreg:s6], $0x5FFFF  }
0xac: {  	[dreg:$0x1] =	wrdreg $0xFFFFFFFF  }
0xad: {  	[dreg:$0x0] =	wrdreg $0x60  }
0xae: {  	[dreg:$0x2] =	wrdreg s24  }
0xaf: {  	[dreg:$0x3] =	wrdreg $0x90000  }
0xb0: {  	[dreg:$0x4] =	wrdreg $0x9  }
0xb1: {  	_ =	task.clear_ibuf [dreg:s6], $0x5FFFF;
	_ =	strace $0x9000004C  }
0xb2: {  	s29 =	simm.s32 $0x9;
	_ =	strace $0x8000004E  }
0xb3: {  	_ =	swait.ge [sflag:s29], $0x1  }
0xb4: {  	[sflag:s29] =	ssyncadd.s32 $0xFFFFFFFF  }
0xb5: {  	_ =	strace $0x9000004E  }
0xb6: {  	_ =	sfence  }
0xb7: {  	s30 =	sld [smem:$0x0];
	_ =	sdelay $0x2  }
0xb8: {  	s31 =	sshll.u32 s1, $0xD;
	s1 =	sshrl.u32 s1, $0x2  }
0xb9: {  	s3 =	sand.u32 $0x4000, s31;
	s1 =	sadd.s32 s1, s30  }
0xba: {  	s0 =	sor.u32 s3, s0;
	s1 =	sshll.u32 s1, $0x11  }
0xbb: {  	s0 =	sor.u32 s1, s0  }
0xbc: {  	s0 =	sadd.s32 $0x8F2B, s0  }
0xbd: {  	[sflag:s0] =	ssyncadd.remote.s32 $0x1  }
0xbe: {  	_ =	sfence.sel $0xFFFF  }
0xbf: {  	[dreg:$0x0] =	wrdreg $0xFFFFFFFF;
	(pc) =	sbr.abs _section_cstart, $3  }
0xc0: {  	[dreg:$0x1] =	wrdreg $0xFFFFFFFF  }
0xc1: {  	_ =	task.clear_ibuf [dreg:s6], $0x2FFFF;
	_ =	strace $0x9FFFFFFF  }
0xc2: {  	(tm) =	ssettm $0x7FFFFFFF  }
0xc3: {  	_ =	shalt  }
tec
execute0_lowered:
.L_overlay_start_1:
0x0: {  	(tag) =	ssettag $0x1  }
0x1: {  	s0 =	rddreg [dreg:$0x0]  }
0x2: {  	s9 =	stileid.u32;
	s2 =	rddreg [dreg:$0x1];
	s3 =	simm.s32 $0x0  }
0x3: {  	s1 =	srdreg.scid;
	s14 =	simm.s32 $0x100;
	[smem:$0x7FF] =	sst s3  }
0x4: {  	s16 =	simm.s32 $0x880;
	_ =	strace $0x8000004D;
	[dreg:$0x5] =	wrdreg s14  }
0x5: {  	s17 =	simm.s32 $0x180;
	s18 =	simm.s32 $0x900;
	[dreg:$0x6] =	wrdreg s16  }
0x6: {  	s19 =	simm.s32 $0x200;
	s20 =	simm.s32 $0x980;
	[dreg:$0x7] =	wrdreg s17  }
0x7: {  	s21 =	simm.s32 $0x280;
	s22 =	simm.s32 $0xA00;
	[dreg:$0x8] =	wrdreg s18  }
0x8: {  	s23 =	simm.s32 $0x300;
	s24 =	simm.s32 $0xA80;
	[dreg:$0x9] =	wrdreg s19  }
0x9: {  	s25 =	simm.s32 $0x380;
	s26 =	simm.s32 $0xB00;
	[dreg:$0xa] =	wrdreg s20  }
0xa: {  	s28 =	simm.s32 $0x680;
	s29 =	simm.s32 $0xE00;
	[dreg:$0xb] =	wrdreg s21  }
0xb: {  	s30 =	simm.s32 $0x700;
	s31 =	simm.s32 $0xE80;
	[dreg:$0xc] =	wrdreg s22  }
0xc: {  	s4 =	smul.u32 $0x500, s9;
	s1 =	sand.u32 $0x1, s1;
	[dreg:$0xd] =	wrdreg s23  }
0xd: {  	s6 =	smul.u32 $0x50000, s9;
	s15 =	sshll.u32 s9, $0x6;
	[dreg:$0xe] =	wrdreg s24  }
0xe: {  	s5 =	smul.u32 $0x28000, s1;
	s1 =	ssub.s32 $0x2, s1;
	[dreg:$0xf] =	wrdreg s25  }
0xf: {  	s14 =	simm.s32 $0x1;
	[dreg:$0x10] =	wrdreg s26;
	s16 =	simm.s32 $0x400  }
0x10: {  	s17 =	simm.s32 $0xB80;
	s18 =	simm.s32 $0x480;
	s19 =	simm.s32 $0xC00  }
0x11: {  	s20 =	simm.s32 $0x500;
	s21 =	simm.s32 $0xC80;
	s22 =	simm.s32 $0x580  }
0x12: {  	s23 =	simm.s32 $0xD00;
	s25 =	simm.s32 $0x600;
	s26 =	simm.s32 $0xD80  }
0x13: {  	s24 =	simm.s32 $0x0;
	s7 =	sadd.s32 s4, s0;
	s10 =	sshrl.u32 s1, $0x1  }
0x14: {  	s11 =	sshrl.u32 s6, $0x2;
	s6 =	smul.u32 $0x2800, s9;
	s9 =	simm.s32 $0x3  }
0x15: {  	s0 =	sadd.s32 s5, s0;
	s1 =	ssub.s32 s1, s10;
	s12 =	sadd.s32 s11, s2  }
0x16: {  	s8 =	sadd.s32 $0x6E00, s7;
	s7 =	sadd.s32 $0x1E00, s7;
	s10 =	simm.s32 $0x800  }
0x17: {  	s11 =	simm.s32 $0x80;
	s5 =	simm.s32 $0xF80;
	[dreg:$0x3] =	wrdreg s8  }
0x18: {  	s4 =	sadd.s32 $0xBE00, s0;
	[dreg:$0x4] =	wrdreg s7;
	s1 =	smax.u32 s1, $0x1  }
0x19: {  	s8 =	sor.u32 $0x1C03, s15;
	s0 =	sadd.s32 $0x5BE00, s0;
	[dreg:$0x13] =	wrdreg s1  }
0x1a: {  	s7 =	sshrl.u32 s12, $0x3;
	s12 =	simm.s32 $0x1000;
	[dreg:$0x12] =	wrdreg s8  }
0x1b: {  	s15 =	simm.s32 $0x2;
	s13 =	sadd.s32 s6, s4;
	[dreg:$0x14] =	wrdreg s7  }
0x1c: {  	s0 =	sadd.s32 s6, s0;
	s1 =	simm.s32 $0x780;
	[dreg:$0x11] =	wrdreg s13  }
0x1d: {  	s13 =	simm.s32 $0x5000;
	[dreg:$0x15] =	wrdreg s0;
	s0 =	simm.s32 $0xF00  }
.LBB2_1:
0x1e: {  	[dreg:$0x16] =	wrdreg s24  }
0x1f: {  	s6 =	rddreg [dreg:$0x11]  }
0x20: {  	[spmem:s7], [sflag:s8] =	dma.local [hbm:s6], $0x2800  }
0x21: {  	_ =	swait.ge [sflag:s9], $0x2800  }
0x22: {  	[sflag:s9] =	ssyncset.done $0x0  }
0x23: {  	[sflag:s9] =	ssyncadd.s32 $0xFFFFD800  }
0x24: {  	[bflag:$0x0] =	sbarrier.arrive $0xFFFF  }
0x25: {  	s8 =	rddreg [dreg:$0x4]  }
0x26: {  	s6 =	sadd.s32 $0x0, s8  }
0x27: {  	[tilespmem:s3], [sflag:$0x3] =	stream.linear.gather [hbm4b:s6+s3], $0x800, $0x38;
	[tilespmem:$0x1D000] =	vst v63  }
0x28: {  	_ =	swait.ge [sflag:s9], $0x800  }
0x29: {  	s24 =	rddreg [dreg:$0x3];
	[sflag:s9] =	ssyncset.done $0x0  }
0x2a: {  	[sflag:s9] =	ssyncadd.s32 $0xFFFFF800;
	s6 =	sadd.s32 $0x0, s24  }
0x2b: {  	[tilespmem:s10], [sflag:$0x3] =	stream.linear.gather [hbm4b:s6+s3], $0x800, $0x38;
	[tilespmem:$0x1D000] =	vst v63  }
0x2c: {  	_ =	swait.ge [sflag:s9], $0x800  }
0x2d: {  	[sflag:s9] =	ssyncset.done $0x0  }
0x2e: {  	[sflag:s9] =	ssyncadd.s32 $0xFFFFF800  }
0x2f: {  	[tilespmem:s12], [sflag:$0x1] =	stream.indirect.gather [hbm4b:s4+s11], $0x80, s3, s11, $0xb8;
	[tilespmem:$0x1D000] =	vst v63  }
0x30: {  	_ = 	snop  }
0x31: {  	[tilespmem:s13], [sflag:$0x2] =	stream.indirect.gather [hbm4b:s4+s11], $0x80, s11, s11, $0xb8;
	[tilespmem:$0x1D000] =	vst v63  }
0x32: {  	_ =	swait.ge [sflag:s14], $0x4000  }
0x33: {  	[sflag:s14] =	ssyncset.done $0x0  }
0x34: {  	[sflag:s14] =	ssyncadd.s32 $0xFFFFC000  }
0x35: {  	[spmem:s2] =	stream.indirect.scatter.add.f32 [tilespmem:s12], [sflag:$0x3], $0x80, s10, s11, $0xb8;
	[tilespmem:$0x1D000] =	vst v63  }
0x36: {  	_ =	swait.ge [sflag:s9], $0x4000  }
0x37: {  	[sflag:s9] =	ssyncset.done $0x0  }
0x38: {  	s7 =	rddreg [dreg:$0x5];
	[sflag:s9] =	ssyncadd.s32 $0xFFFFC000  }
0x39: {  	[tilespmem:s12], [sflag:$0x1] =	stream.indirect.gather [hbm4b:s4+s11], $0x80, s7, s11, $0xb8;
	[tilespmem:$0x1D000] =	vst v63  }
0x3a: {  	_ =	swait.ge [sflag:s15], $0x4000  }
0x3b: {  	[sflag:s15] =	ssyncset.done $0x0  }
0x3c: {  	s8 =	rddreg [dreg:$0x6];
	[sflag:s15] =	ssyncadd.s32 $0xFFFFC000  }
0x3d: {  	[spmem:s2] =	stream.indirect.scatter.add.f32 [tilespmem:s13], [sflag:$0x3], $0x80, s8, s11, $0xb8;
	[tilespmem:$0x1D000] =	vst v63  }
0x3e: {  	_ =	swait.ge [sflag:s9], $0x4000  }
0x3f: {  	[sflag:s9] =	ssyncset.done $0x0  }
0x40: {  	s24 =	rddreg [dreg:$0x7];
	[sflag:s9] =	ssyncadd.s32 $0xFFFFC000  }
0x41: {  	[tilespmem:s13], [sflag:$0x2] =	stream.indirect.gather [hbm4b:s4+s11], $0x80, s24, s11, $0xb8;
	[tilespmem:$0x1D000] =	vst v63  }
0x42: {  	_ =	swait.ge [sflag:s14], $0x4000  }
0x43: {  	[sflag:s14] =	ssyncset.done $0x0  }
0x44: {  	s7 =	rddreg [dreg:$0x8];
	[sflag:s14] =	ssyncadd.s32 $0xFFFFC000  }
0x45: {  	[spmem:s2] =	stream.indirect.scatter.add.f32 [tilespmem:s12], [sflag:$0x3], $0x80, s7, s11, $0xb8;
	[tilespmem:$0x1D000] =	vst v63  }
0x46: {  	_ =	swait.ge [sflag:s9], $0x4000  }
0x47: {  	[sflag:s9] =	ssyncset.done $0x0  }
0x48: {  	s8 =	rddreg [dreg:$0x9];
	[sflag:s9] =	ssyncadd.s32 $0xFFFFC000  }
0x49: {  	[tilespmem:s12], [sflag:$0x1] =	stream.indirect.gather [hbm4b:s4+s11], $0x80, s8, s11, $0xb8;
	[tilespmem:$0x1D000] =	vst v63  }
0x4a: {  	_ =	swait.ge [sflag:s15], $0x4000  }
0x4b: {  	[sflag:s15] =	ssyncset.done $0x0  }
0x4c: {  	s24 =	rddreg [dreg:$0xa];
	[sflag:s15] =	ssyncadd.s32 $0xFFFFC000  }
0x4d: {  	[spmem:s2] =	stream.indirect.scatter.add.f32 [tilespmem:s13], [sflag:$0x3], $0x80, s24, s11, $0xb8;
	[tilespmem:$0x1D000] =	vst v63  }
0x4e: {  	_ =	swait.ge [sflag:s9], $0x4000  }
0x4f: {  	[sflag:s9] =	ssyncset.done $0x0  }
0x50: {  	s7 =	rddreg [dreg:$0xb];
	[sflag:s9] =	ssyncadd.s32 $0xFFFFC000  }
0x51: {  	[tilespmem:s13], [sflag:$0x2] =	stream.indirect.gather [hbm4b:s4+s11], $0x80, s7, s11, $0xb8;
	[tilespmem:$0x1D000] =	vst v63  }
0x52: {  	_ =	swait.ge [sflag:s14], $0x4000  }
0x53: {  	[sflag:s14] =	ssyncset.done $0x0  }
0x54: {  	s8 =	rddreg [dreg:$0xc];
	[sflag:s14] =	ssyncadd.s32 $0xFFFFC000  }
0x55: {  	[spmem:s2] =	stream.indirect.scatter.add.f32 [tilespmem:s12], [sflag:$0x3], $0x80, s8, s11, $0xb8;
	[tilespmem:$0x1D000] =	vst v63  }
0x56: {  	_ =	swait.ge [sflag:s9], $0x4000  }
0x57: {  	[sflag:s9] =	ssyncset.done $0x0  }
0x58: {  	s24 =	rddreg [dreg:$0xd];
	[sflag:s9] =	ssyncadd.s32 $0xFFFFC000  }
0x59: {  	[tilespmem:s12], [sflag:$0x1] =	stream.indirect.gather [hbm4b:s4+s11], $0x80, s24, s11, $0xb8;
	[tilespmem:$0x1D000] =	vst v63  }
0x5a: {  	_ =	swait.ge [sflag:s15], $0x4000  }
0x5b: {  	[sflag:s15] =	ssyncset.done $0x0  }
0x5c: {  	s7 =	rddreg [dreg:$0xe];
	[sflag:s15] =	ssyncadd.s32 $0xFFFFC000  }
0x5d: {  	[spmem:s2] =	stream.indirect.scatter.add.f32 [tilespmem:s13], [sflag:$0x3], $0x80, s7, s11, $0xb8;
	[tilespmem:$0x1D000] =	vst v63  }
0x5e: {  	_ =	swait.ge [sflag:s9], $0x4000  }
0x5f: {  	[sflag:s9] =	ssyncset.done $0x0  }
0x60: {  	s8 =	rddreg [dreg:$0xf];
	[sflag:s9] =	ssyncadd.s32 $0xFFFFC000  }
0x61: {  	[tilespmem:s13], [sflag:$0x2] =	stream.indirect.gather [hbm4b:s4+s11], $0x80, s8, s11, $0xb8;
	[tilespmem:$0x1D000] =	vst v63  }
0x62: {  	_ =	swait.ge [sflag:s14], $0x4000  }
0x63: {  	[sflag:s14] =	ssyncset.done $0x0  }
0x64: {  	s24 =	rddreg [dreg:$0x10];
	[sflag:s14] =	ssyncadd.s32 $0xFFFFC000  }
0x65: {  	[spmem:s2] =	stream.indirect.scatter.add.f32 [tilespmem:s12], [sflag:$0x3], $0x80, s24, s11, $0xb8;
	[tilespmem:$0x1D000] =	vst v63  }
0x66: {  	_ =	swait.ge [sflag:s9], $0x4000  }
0x67: {  	[sflag:s9] =	ssyncset.done $0x0  }
0x68: {  	[sflag:s9] =	ssyncadd.s32 $0xFFFFC000  }
0x69: {  	[tilespmem:s12], [sflag:$0x1] =	stream.indirect.gather [hbm4b:s4+s11], $0x80, s16, s11, $0xb8;
	[tilespmem:$0x1D000] =	vst v63  }
0x6a: {  	_ =	swait.ge [sflag:s15], $0x4000  }
0x6b: {  	[sflag:s15] =	ssyncset.done $0x0  }
0x6c: {  	[sflag:s15] =	ssyncadd.s32 $0xFFFFC000  }
0x6d: {  	[spmem:s2] =	stream.indirect.scatter.add.f32 [tilespmem:s13], [sflag:$0x3], $0x80, s17, s11, $0xb8;
	[tilespmem:$0x1D000] =	vst v63  }
0x6e: {  	_ =	swait.ge [sflag:s9], $0x4000  }
0x6f: {  	[sflag:s9] =	ssyncset.done $0x0  }
0x70: {  	[sflag:s9] =	ssyncadd.s32 $0xFFFFC000  }
0x71: {  	[tilespmem:s13], [sflag:$0x2] =	stream.indirect.gather [hbm4b:s4+s11], $0x80, s18, s11, $0xb8;
	[tilespmem:$0x1D000] =	vst v63  }
0x72: {  	_ =	swait.ge [sflag:s14], $0x4000  }
0x73: {  	[sflag:s14] =	ssyncset.done $0x0  }
0x74: {  	[sflag:s14] =	ssyncadd.s32 $0xFFFFC000  }
0x75: {  	[spmem:s2] =	stream.indirect.scatter.add.f32 [tilespmem:s12], [sflag:$0x3], $0x80, s19, s11, $0xb8;
	[tilespmem:$0x1D000] =	vst v63  }
0x76: {  	_ =	swait.ge [sflag:s9], $0x4000  }
0x77: {  	[sflag:s9] =	ssyncset.done $0x0  }
0x78: {  	[sflag:s9] =	ssyncadd.s32 $0xFFFFC000  }
0x79: {  	[tilespmem:s12], [sflag:$0x1] =	stream.indirect.gather [hbm4b:s4+s11], $0x80, s20, s11, $0xb8;
	[tilespmem:$0x1D000] =	vst v63  }
0x7a: {  	_ =	swait.ge [sflag:s15], $0x4000  }
0x7b: {  	[sflag:s15] =	ssyncset.done $0x0  }
0x7c: {  	[sflag:s15] =	ssyncadd.s32 $0xFFFFC000  }
0x7d: {  	[spmem:s2] =	stream.indirect.scatter.add.f32 [tilespmem:s13], [sflag:$0x3], $0x80, s21, s11, $0xb8;
	[tilespmem:$0x1D000] =	vst v63  }
0x7e: {  	_ =	swait.ge [sflag:s9], $0x4000  }
0x7f: {  	[sflag:s9] =	ssyncset.done $0x0  }
0x80: {  	[sflag:s9] =	ssyncadd.s32 $0xFFFFC000  }
0x81: {  	[tilespmem:s13], [sflag:$0x2] =	stream.indirect.gather [hbm4b:s4+s11], $0x80, s22, s11, $0xb8;
	[tilespmem:$0x1D000] =	vst v63  }
0x82: {  	_ =	swait.ge [sflag:s14], $0x4000  }
0x83: {  	[sflag:s14] =	ssyncset.done $0x0  }
0x84: {  	[sflag:s14] =	ssyncadd.s32 $0xFFFFC000  }
0x85: {  	[spmem:s2] =	stream.indirect.scatter.add.f32 [tilespmem:s12], [sflag:$0x3], $0x80, s23, s11, $0xb8;
	[tilespmem:$0x1D000] =	vst v63  }
0x86: {  	_ =	swait.ge [sflag:s9], $0x4000  }
0x87: {  	[sflag:s9] =	ssyncset.done $0x0  }
0x88: {  	[sflag:s9] =	ssyncadd.s32 $0xFFFFC000  }
0x89: {  	[tilespmem:s12], [sflag:$0x1] =	stream.indirect.gather [hbm4b:s4+s11], $0x80, s25, s11, $0xb8;
	[tilespmem:$0x1D000] =	vst v63  }
0x8a: {  	_ =	swait.ge [sflag:s15], $0x4000  }
0x8b: {  	[sflag:s15] =	ssyncset.done $0x0  }
0x8c: {  	[sflag:s15] =	ssyncadd.s32 $0xFFFFC000  }
0x8d: {  	[spmem:s2] =	stream.indirect.scatter.add.f32 [tilespmem:s13], [sflag:$0x3], $0x80, s26, s11, $0xb8;
	[tilespmem:$0x1D000] =	vst v63  }
0x8e: {  	_ =	swait.ge [sflag:s9], $0x4000  }
0x8f: {  	[sflag:s9] =	ssyncset.done $0x0  }
0x90: {  	[sflag:s9] =	ssyncadd.s32 $0xFFFFC000  }
0x91: {  	[tilespmem:s13], [sflag:$0x2] =	stream.indirect.gather [hbm4b:s4+s11], $0x80, s28, s11, $0xb8;
	[tilespmem:$0x1D000] =	vst v63  }
0x92: {  	_ =	swait.ge [sflag:s14], $0x4000  }
0x93: {  	[sflag:s14] =	ssyncset.done $0x0  }
0x94: {  	[sflag:s14] =	ssyncadd.s32 $0xFFFFC000  }
0x95: {  	[spmem:s2] =	stream.indirect.scatter.add.f32 [tilespmem:s12], [sflag:$0x3], $0x80, s29, s11, $0xb8;
	[tilespmem:$0x1D000] =	vst v63  }
0x96: {  	_ =	swait.ge [sflag:s9], $0x4000  }
0x97: {  	[sflag:s9] =	ssyncset.done $0x0  }
0x98: {  	[sflag:s9] =	ssyncadd.s32 $0xFFFFC000  }
0x99: {  	[tilespmem:s12], [sflag:$0x1] =	stream.indirect.gather [hbm4b:s4+s11], $0x80, s30, s11, $0xb8;
	[tilespmem:$0x1D000] =	vst v63  }
0x9a: {  	_ =	swait.ge [sflag:s15], $0x4000  }
0x9b: {  	[sflag:s15] =	ssyncset.done $0x0  }
0x9c: {  	[sflag:s15] =	ssyncadd.s32 $0xFFFFC000  }
0x9d: {  	[spmem:s2] =	stream.indirect.scatter.add.f32 [tilespmem:s13], [sflag:$0x3], $0x80, s31, s11, $0xb8;
	[tilespmem:$0x1D000] =	vst v63  }
0x9e: {  	_ =	swait.ge [sflag:s9], $0x4000  }
0x9f: {  	[sflag:s9] =	ssyncset.done $0x0  }
0xa0: {  	[sflag:s9] =	ssyncadd.s32 $0xFFFFC000  }
0xa1: {  	[tilespmem:s13], [sflag:$0x2] =	stream.indirect.gather [hbm4b:s4+s11], $0x80, s1, s11, $0xb8;
	[tilespmem:$0x1D000] =	vst v63  }
0xa2: {  	_ =	swait.ge [sflag:s14], $0x4000  }
0xa3: {  	[sflag:s14] =	ssyncset.done $0x0  }
0xa4: {  	[sflag:s14] =	ssyncadd.s32 $0xFFFFC000  }
0xa5: {  	[spmem:s2] =	stream.indirect.scatter.add.f32 [tilespmem:s12], [sflag:$0x3], $0x80, s0, s11, $0xb8;
	[tilespmem:$0x1D000] =	vst v63  }
0xa6: {  	_ =	swait.ge [sflag:s9], $0x4000  }
0xa7: {  	[sflag:s9] =	ssyncset.done $0x0  }
0xa8: {  	[sflag:s9] =	ssyncadd.s32 $0xFFFFC000  }
0xa9: {  	_ =	swait.ge [sflag:s15], $0x4000  }
0xaa: {  	[sflag:s15] =	ssyncset.done $0x0  }
0xab: {  	[sflag:s15] =	ssyncadd.s32 $0xFFFFC000  }
0xac: {  	[spmem:s2] =	stream.indirect.scatter.add.f32 [tilespmem:s13], [sflag:$0x3], $0x80, s5, s11, $0xb8;
	[tilespmem:$0x1D000] =	vst v63  }
0xad: {  	s6 =	simm.s32 $0x200;
	_ =	swait.ge [sflag:s9], $0x4000  }
0xae: {  	s24 =	simm.s32 $0x100;
	s8 =	rddreg [dreg:$0x4];
	[sflag:s9] =	ssyncset.done $0x0  }
.LBB2_2:
0xaf: {  	[sflag:s9] =	ssyncadd.s32 $0xFFFFC000;
	s8 =	sadd.s32 s24, s8  }
0xb0: {  	[tilespmem:s3], [sflag:$0x3] =	stream.linear.gather [hbm4b:s8+s3], $0x800, $0x38;
	[tilespmem:$0x1D000] =	vst v63  }
0xb1: {  	_ =	swait.ge [sflag:s9], $0x800  }
0xb2: {  	s8 =	rddreg [dreg:$0x3];
	[sflag:s9] =	ssyncset.done $0x0  }
0xb3: {  	[sflag:s9] =	ssyncadd.s32 $0xFFFFF800;
	s8 =	sadd.s32 s24, s8  }
0xb4: {  	[tilespmem:s10], [sflag:$0x3] =	stream.linear.gather [hbm4b:s8+s3], $0x800, $0x38;
	[tilespmem:$0x1D000] =	vst v63  }
0xb5: {  	_ =	swait.ge [sflag:s9], $0x800  }
0xb6: {  	[sflag:s9] =	ssyncset.done $0x0  }
0xb7: {  	[sflag:s9] =	ssyncadd.s32 $0xFFFFF800  }
0xb8: {  	[tilespmem:s12], [sflag:$0x1] =	stream.indirect.gather [hbm4b:s4+s11], $0x80, s3, s11, $0xb8;
	[tilespmem:$0x1D000] =	vst v63  }
0xb9: {  	_ = 	snop  }
0xba: {  	[tilespmem:s13], [sflag:$0x2] =	stream.indirect.gather [hbm4b:s4+s11], $0x80, s11, s11, $0xb8;
	[tilespmem:$0x1D000] =	vst v63  }
0xbb: {  	_ =	swait.ge [sflag:s14], $0x4000  }
0xbc: {  	[sflag:s14] =	ssyncset.done $0x0  }
0xbd: {  	[sflag:s14] =	ssyncadd.s32 $0xFFFFC000  }
0xbe: {  	[spmem:s2] =	stream.indirect.scatter.add.f32 [tilespmem:s12], [sflag:$0x3], $0x80, s10, s11, $0xb8;
	[tilespmem:$0x1D000] =	vst v63  }
0xbf: {  	_ =	swait.ge [sflag:s9], $0x4000  }
0xc0: {  	[sflag:s9] =	ssyncset.done $0x0  }
0xc1: {  	s8 =	rddreg [dreg:$0x5];
	[sflag:s9] =	ssyncadd.s32 $0xFFFFC000  }
0xc2: {  	[tilespmem:s12], [sflag:$0x1] =	stream.indirect.gather [hbm4b:s4+s11], $0x80, s8, s11, $0xb8;
	[tilespmem:$0x1D000] =	vst v63  }
0xc3: {  	_ =	swait.ge [sflag:s15], $0x4000  }
0xc4: {  	[sflag:s15] =	ssyncset.done $0x0  }
0xc5: {  	s8 =	rddreg [dreg:$0x6];
	[sflag:s15] =	ssyncadd.s32 $0xFFFFC000  }
0xc6: {  	[spmem:s2] =	stream.indirect.scatter.add.f32 [tilespmem:s13], [sflag:$0x3], $0x80, s8, s11, $0xb8;
	[tilespmem:$0x1D000] =	vst v63  }
0xc7: {  	_ =	swait.ge [sflag:s9], $0x4000  }
0xc8: {  	[sflag:s9] =	ssyncset.done $0x0  }
0xc9: {  	s8 =	rddreg [dreg:$0x7];
	[sflag:s9] =	ssyncadd.s32 $0xFFFFC000  }
0xca: {  	[tilespmem:s13], [sflag:$0x2] =	stream.indirect.gather [hbm4b:s4+s11], $0x80, s8, s11, $0xb8;
	[tilespmem:$0x1D000] =	vst v63  }
0xcb: {  	_ =	swait.ge [sflag:s14], $0x4000  }
0xcc: {  	[sflag:s14] =	ssyncset.done $0x0  }
0xcd: {  	s8 =	rddreg [dreg:$0x8];
	[sflag:s14] =	ssyncadd.s32 $0xFFFFC000  }
0xce: {  	[spmem:s2] =	stream.indirect.scatter.add.f32 [tilespmem:s12], [sflag:$0x3], $0x80, s8, s11, $0xb8;
	[tilespmem:$0x1D000] =	vst v63  }
0xcf: {  	_ =	swait.ge [sflag:s9], $0x4000  }
0xd0: {  	[sflag:s9] =	ssyncset.done $0x0  }
0xd1: {  	s8 =	rddreg [dreg:$0x9];
	[sflag:s9] =	ssyncadd.s32 $0xFFFFC000  }
0xd2: {  	[tilespmem:s12], [sflag:$0x1] =	stream.indirect.gather [hbm4b:s4+s11], $0x80, s8, s11, $0xb8;
	[tilespmem:$0x1D000] =	vst v63  }
0xd3: {  	_ =	swait.ge [sflag:s15], $0x4000  }
0xd4: {  	[sflag:s15] =	ssyncset.done $0x0  }
0xd5: {  	s8 =	rddreg [dreg:$0xa];
	[sflag:s15] =	ssyncadd.s32 $0xFFFFC000  }
0xd6: {  	[spmem:s2] =	stream.indirect.scatter.add.f32 [tilespmem:s13], [sflag:$0x3], $0x80, s8, s11, $0xb8;
	[tilespmem:$0x1D000] =	vst v63  }
0xd7: {  	_ =	swait.ge [sflag:s9], $0x4000  }
0xd8: {  	[sflag:s9] =	ssyncset.done $0x0  }
0xd9: {  	s8 =	rddreg [dreg:$0xb];
	[sflag:s9] =	ssyncadd.s32 $0xFFFFC000  }
0xda: {  	[tilespmem:s13], [sflag:$0x2] =	stream.indirect.gather [hbm4b:s4+s11], $0x80, s8, s11, $0xb8;
	[tilespmem:$0x1D000] =	vst v63  }
0xdb: {  	_ =	swait.ge [sflag:s14], $0x4000  }
0xdc: {  	[sflag:s14] =	ssyncset.done $0x0  }
0xdd: {  	s8 =	rddreg [dreg:$0xc];
	[sflag:s14] =	ssyncadd.s32 $0xFFFFC000  }
0xde: {  	[spmem:s2] =	stream.indirect.scatter.add.f32 [tilespmem:s12], [sflag:$0x3], $0x80, s8, s11, $0xb8;
	[tilespmem:$0x1D000] =	vst v63  }
0xdf: {  	_ =	swait.ge [sflag:s9], $0x4000  }
0xe0: {  	[sflag:s9] =	ssyncset.done $0x0  }
0xe1: {  	s8 =	rddreg [dreg:$0xd];
	[sflag:s9] =	ssyncadd.s32 $0xFFFFC000  }
0xe2: {  	[tilespmem:s12], [sflag:$0x1] =	stream.indirect.gather [hbm4b:s4+s11], $0x80, s8, s11, $0xb8;
	[tilespmem:$0x1D000] =	vst v63  }
0xe3: {  	_ =	swait.ge [sflag:s15], $0x4000  }
0xe4: {  	[sflag:s15] =	ssyncset.done $0x0  }
0xe5: {  	s8 =	rddreg [dreg:$0xe];
	[sflag:s15] =	ssyncadd.s32 $0xFFFFC000  }
0xe6: {  	[spmem:s2] =	stream.indirect.scatter.add.f32 [tilespmem:s13], [sflag:$0x3], $0x80, s8, s11, $0xb8;
	[tilespmem:$0x1D000] =	vst v63  }
0xe7: {  	_ =	swait.ge [sflag:s9], $0x4000  }
0xe8: {  	[sflag:s9] =	ssyncset.done $0x0  }
0xe9: {  	s8 =	rddreg [dreg:$0xf];
	[sflag:s9] =	ssyncadd.s32 $0xFFFFC000  }
0xea: {  	[tilespmem:s13], [sflag:$0x2] =	stream.indirect.gather [hbm4b:s4+s11], $0x80, s8, s11, $0xb8;
	[tilespmem:$0x1D000] =	vst v63  }
0xeb: {  	_ =	swait.ge [sflag:s14], $0x4000  }
0xec: {  	[sflag:s14] =	ssyncset.done $0x0  }
0xed: {  	s8 =	rddreg [dreg:$0x10];
	[sflag:s14] =	ssyncadd.s32 $0xFFFFC000  }
0xee: {  	[spmem:s2] =	stream.indirect.scatter.add.f32 [tilespmem:s12], [sflag:$0x3], $0x80, s8, s11, $0xb8;
	[tilespmem:$0x1D000] =	vst v63  }
0xef: {  	_ =	swait.ge [sflag:s9], $0x4000  }
0xf0: {  	[sflag:s9] =	ssyncset.done $0x0  }
0xf1: {  	[sflag:s9] =	ssyncadd.s32 $0xFFFFC000  }
0xf2: {  	[tilespmem:s12], [sflag:$0x1] =	stream.indirect.gather [hbm4b:s4+s11], $0x80, s16, s11, $0xb8;
	[tilespmem:$0x1D000] =	vst v63  }
0xf3: {  	_ =	swait.ge [sflag:s15], $0x4000  }
0xf4: {  	[sflag:s15] =	ssyncset.done $0x0  }
0xf5: {  	[sflag:s15] =	ssyncadd.s32 $0xFFFFC000  }
0xf6: {  	[spmem:s2] =	stream.indirect.scatter.add.f32 [tilespmem:s13], [sflag:$0x3], $0x80, s17, s11, $0xb8;
	[tilespmem:$0x1D000] =	vst v63  }
0xf7: {  	_ =	swait.ge [sflag:s9], $0x4000  }
0xf8: {  	[sflag:s9] =	ssyncset.done $0x0  }
0xf9: {  	[sflag:s9] =	ssyncadd.s32 $0xFFFFC000  }
0xfa: {  	[tilespmem:s13], [sflag:$0x2] =	stream.indirect.gather [hbm4b:s4+s11], $0x80, s18, s11, $0xb8;
	[tilespmem:$0x1D000] =	vst v63  }
0xfb: {  	_ =	swait.ge [sflag:s14], $0x4000  }
0xfc: {  	[sflag:s14] =	ssyncset.done $0x0  }
0xfd: {  	[sflag:s14] =	ssyncadd.s32 $0xFFFFC000  }
0xfe: {  	[spmem:s2] =	stream.indirect.scatter.add.f32 [tilespmem:s12], [sflag:$0x3], $0x80, s19, s11, $0xb8;
	[tilespmem:$0x1D000] =	vst v63  }
0xff: {  	_ =	swait.ge [sflag:s9], $0x4000  }
0x100: {  	[sflag:s9] =	ssyncset.done $0x0  }
0x101: {  	[sflag:s9] =	ssyncadd.s32 $0xFFFFC000  }
0x102: {  	[tilespmem:s12], [sflag:$0x1] =	stream.indirect.gather [hbm4b:s4+s11], $0x80, s20, s11, $0xb8;
	[tilespmem:$0x1D000] =	vst v63  }
0x103: {  	_ =	swait.ge [sflag:s15], $0x4000  }
0x104: {  	[sflag:s15] =	ssyncset.done $0x0  }
0x105: {  	[sflag:s15] =	ssyncadd.s32 $0xFFFFC000  }
0x106: {  	[spmem:s2] =	stream.indirect.scatter.add.f32 [tilespmem:s13], [sflag:$0x3], $0x80, s21, s11, $0xb8;
	[tilespmem:$0x1D000] =	vst v63  }
0x107: {  	_ =	swait.ge [sflag:s9], $0x4000  }
0x108: {  	[sflag:s9] =	ssyncset.done $0x0  }
0x109: {  	[sflag:s9] =	ssyncadd.s32 $0xFFFFC000  }
0x10a: {  	[tilespmem:s13], [sflag:$0x2] =	stream.indirect.gather [hbm4b:s4+s11], $0x80, s22, s11, $0xb8;
	[tilespmem:$0x1D000] =	vst v63  }
0x10b: {  	_ =	swait.ge [sflag:s14], $0x4000  }
0x10c: {  	[sflag:s14] =	ssyncset.done $0x0  }
0x10d: {  	[sflag:s14] =	ssyncadd.s32 $0xFFFFC000  }
0x10e: {  	[spmem:s2] =	stream.indirect.scatter.add.f32 [tilespmem:s12], [sflag:$0x3], $0x80, s23, s11, $0xb8;
	[tilespmem:$0x1D000] =	vst v63  }
0x10f: {  	_ =	swait.ge [sflag:s9], $0x4000  }
0x110: {  	[sflag:s9] =	ssyncset.done $0x0  }
0x111: {  	[sflag:s9] =	ssyncadd.s32 $0xFFFFC000  }
0x112: {  	[tilespmem:s12], [sflag:$0x1] =	stream.indirect.gather [hbm4b:s4+s11], $0x80, s25, s11, $0xb8;
	[tilespmem:$0x1D000] =	vst v63  }
0x113: {  	_ =	swait.ge [sflag:s15], $0x4000  }
0x114: {  	[sflag:s15] =	ssyncset.done $0x0  }
0x115: {  	[sflag:s15] =	ssyncadd.s32 $0xFFFFC000  }
0x116: {  	[spmem:s2] =	stream.indirect.scatter.add.f32 [tilespmem:s13], [sflag:$0x3], $0x80, s26, s11, $0xb8;
	[tilespmem:$0x1D000] =	vst v63  }
0x117: {  	_ =	swait.ge [sflag:s9], $0x4000  }
0x118: {  	[sflag:s9] =	ssyncset.done $0x0  }
0x119: {  	[sflag:s9] =	ssyncadd.s32 $0xFFFFC000  }
0x11a: {  	[tilespmem:s13], [sflag:$0x2] =	stream.indirect.gather [hbm4b:s4+s11], $0x80, s28, s11, $0xb8;
	[tilespmem:$0x1D000] =	vst v63  }
0x11b: {  	_ =	swait.ge [sflag:s14], $0x4000  }
0x11c: {  	[sflag:s14] =	ssyncset.done $0x0  }
0x11d: {  	[sflag:s14] =	ssyncadd.s32 $0xFFFFC000  }
0x11e: {  	[spmem:s2] =	stream.indirect.scatter.add.f32 [tilespmem:s12], [sflag:$0x3], $0x80, s29, s11, $0xb8;
	[tilespmem:$0x1D000] =	vst v63  }
0x11f: {  	_ =	swait.ge [sflag:s9], $0x4000  }
0x120: {  	[sflag:s9] =	ssyncset.done $0x0  }
0x121: {  	[sflag:s9] =	ssyncadd.s32 $0xFFFFC000  }
0x122: {  	[tilespmem:s12], [sflag:$0x1] =	stream.indirect.gather [hbm4b:s4+s11], $0x80, s30, s11, $0xb8;
	[tilespmem:$0x1D000] =	vst v63  }
0x123: {  	_ =	swait.ge [sflag:s15], $0x4000  }
0x124: {  	[sflag:s15] =	ssyncset.done $0x0  }
0x125: {  	[sflag:s15] =	ssyncadd.s32 $0xFFFFC000  }
0x126: {  	[spmem:s2] =	stream.indirect.scatter.add.f32 [tilespmem:s13], [sflag:$0x3], $0x80, s31, s11, $0xb8;
	[tilespmem:$0x1D000] =	vst v63  }
0x127: {  	_ =	swait.ge [sflag:s9], $0x4000  }
0x128: {  	[sflag:s9] =	ssyncset.done $0x0  }
0x129: {  	[sflag:s9] =	ssyncadd.s32 $0xFFFFC000  }
0x12a: {  	[tilespmem:s13], [sflag:$0x2] =	stream.indirect.gather [hbm4b:s4+s11], $0x80, s1, s11, $0xb8;
	[tilespmem:$0x1D000] =	vst v63  }
0x12b: {  	_ =	swait.ge [sflag:s14], $0x4000  }
0x12c: {  	[sflag:s14] =	ssyncset.done $0x0  }
0x12d: {  	[sflag:s14] =	ssyncadd.s32 $0xFFFFC000  }
0x12e: {  	[spmem:s2] =	stream.indirect.scatter.add.f32 [tilespmem:s12], [sflag:$0x3], $0x80, s0, s11, $0xb8;
	[tilespmem:$0x1D000] =	vst v63  }
0x12f: {  	_ =	swait.ge [sflag:s9], $0x4000  }
0x130: {  	[sflag:s9] =	ssyncset.done $0x0  }
0x131: {  	[sflag:s9] =	ssyncadd.s32 $0xFFFFC000  }
0x132: {  	p0 =	sne.s32 s6, $0x400;
	_ =	swait.ge [sflag:s15], $0x4000  }
.Ltmp0:
0x133: {  	[sflag:s15] =	ssyncset.done $0x0;
	(pc) =	sbr.rel @p0 .LBB2_2-.Ltmp0, $4  }
0x134: {  	[sflag:s15] =	ssyncadd.s32 $0xFFFFC000  }
0x135: {  	[spmem:s2] =	stream.indirect.scatter.add.f32 [tilespmem:s13], [sflag:$0x3], $0x80, s5, s11, $0xb8;
	[tilespmem:$0x1D000] =	vst v63  }
0x136: {  	s7 =	smov.u32 s6;
	s6 =	sadd.s32 $0x100, s6;
	_ =	swait.ge [sflag:s9], $0x4000  }
0x137: {  	s24 =	smov.u32 s7;
	s8 =	rddreg [dreg:$0x4];
	[sflag:s9] =	ssyncset.done $0x0  }
0x138: {  	[sflag:s9] =	ssyncadd.s32 $0xFFFFC000;
	s6 =	sadd.s32 s24, s8  }
0x139: {  	[tilespmem:s3], [sflag:$0x3] =	stream.linear.gather [hbm4b:s6+s3], $0x800, $0x38;
	[tilespmem:$0x1D000] =	vst v63  }
0x13a: {  	_ =	swait.ge [sflag:s9], $0x800  }
0x13b: {  	s8 =	rddreg [dreg:$0x3];
	[sflag:s9] =	ssyncset.done $0x0  }
0x13c: {  	s6 =	sadd.s32 s24, s8;
	[sflag:s9] =	ssyncadd.s32 $0xFFFFF800  }
0x13d: {  	[tilespmem:s10], [sflag:$0x3] =	stream.linear.gather [hbm4b:s6+s3], $0x800, $0x38;
	[tilespmem:$0x1D000] =	vst v63  }
0x13e: {  	_ =	swait.ge [sflag:s9], $0x800  }
0x13f: {  	[sflag:s9] =	ssyncset.done $0x0  }
0x140: {  	[sflag:s9] =	ssyncadd.s32 $0xFFFFF800  }
0x141: {  	[tilespmem:s12], [sflag:$0x1] =	stream.indirect.gather [hbm4b:s4+s11], $0x80, s3, s11, $0xb8;
	[tilespmem:$0x1D000] =	vst v63  }
0x142: {  	_ = 	snop  }
0x143: {  	[tilespmem:s13], [sflag:$0x2] =	stream.indirect.gather [hbm4b:s4+s11], $0x80, s11, s11, $0xb8;
	[tilespmem:$0x1D000] =	vst v63  }
0x144: {  	_ =	swait.ge [sflag:s14], $0x4000  }
0x145: {  	[sflag:s14] =	ssyncset.done $0x0  }
0x146: {  	[sflag:s14] =	ssyncadd.s32 $0xFFFFC000  }
0x147: {  	[spmem:s2] =	stream.indirect.scatter.add.f32 [tilespmem:s12], [sflag:$0x3], $0x80, s10, s11, $0xb8;
	[tilespmem:$0x1D000] =	vst v63  }
0x148: {  	_ =	swait.ge [sflag:s9], $0x4000  }
0x149: {  	[sflag:s9] =	ssyncset.done $0x0  }
0x14a: {  	s24 =	rddreg [dreg:$0x5];
	[sflag:s9] =	ssyncadd.s32 $0xFFFFC000  }
0x14b: {  	[tilespmem:s12], [sflag:$0x1] =	stream.indirect.gather [hbm4b:s4+s11], $0x80, s24, s11, $0xb8;
	[tilespmem:$0x1D000] =	vst v63  }
0x14c: {  	_ =	swait.ge [sflag:s15], $0x4000  }
0x14d: {  	[sflag:s15] =	ssyncset.done $0x0  }
0x14e: {  	s7 =	rddreg [dreg:$0x6];
	[sflag:s15] =	ssyncadd.s32 $0xFFFFC000  }
0x14f: {  	[spmem:s2] =	stream.indirect.scatter.add.f32 [tilespmem:s13], [sflag:$0x3], $0x80, s7, s11, $0xb8;
	[tilespmem:$0x1D000] =	vst v63  }
0x150: {  	_ =	swait.ge [sflag:s9], $0x4000  }
0x151: {  	[sflag:s9] =	ssyncset.done $0x0  }
0x152: {  	s8 =	rddreg [dreg:$0x7];
	[sflag:s9] =	ssyncadd.s32 $0xFFFFC000  }
0x153: {  	[tilespmem:s13], [sflag:$0x2] =	stream.indirect.gather [hbm4b:s4+s11], $0x80, s8, s11, $0xb8;
	[tilespmem:$0x1D000] =	vst v63  }
0x154: {  	_ =	swait.ge [sflag:s14], $0x4000  }
0x155: {  	[sflag:s14] =	ssyncset.done $0x0  }
0x156: {  	s24 =	rddreg [dreg:$0x8];
	[sflag:s14] =	ssyncadd.s32 $0xFFFFC000  }
0x157: {  	[spmem:s2] =	stream.indirect.scatter.add.f32 [tilespmem:s12], [sflag:$0x3], $0x80, s24, s11, $0xb8;
	[tilespmem:$0x1D000] =	vst v63  }
0x158: {  	_ =	swait.ge [sflag:s9], $0x4000  }
0x159: {  	[sflag:s9] =	ssyncset.done $0x0  }
0x15a: {  	s7 =	rddreg [dreg:$0x9];
	[sflag:s9] =	ssyncadd.s32 $0xFFFFC000  }
0x15b: {  	[tilespmem:s12], [sflag:$0x1] =	stream.indirect.gather [hbm4b:s4+s11], $0x80, s7, s11, $0xb8;
	[tilespmem:$0x1D000] =	vst v63  }
0x15c: {  	_ =	swait.ge [sflag:s15], $0x4000  }
0x15d: {  	[sflag:s15] =	ssyncset.done $0x0  }
0x15e: {  	s8 =	rddreg [dreg:$0xa];
	[sflag:s15] =	ssyncadd.s32 $0xFFFFC000  }
0x15f: {  	[spmem:s2] =	stream.indirect.scatter.add.f32 [tilespmem:s13], [sflag:$0x3], $0x80, s8, s11, $0xb8;
	[tilespmem:$0x1D000] =	vst v63  }
0x160: {  	_ =	swait.ge [sflag:s9], $0x4000  }
0x161: {  	[sflag:s9] =	ssyncset.done $0x0  }
0x162: {  	s24 =	rddreg [dreg:$0xb];
	[sflag:s9] =	ssyncadd.s32 $0xFFFFC000  }
0x163: {  	[tilespmem:s13], [sflag:$0x2] =	stream.indirect.gather [hbm4b:s4+s11], $0x80, s24, s11, $0xb8;
	[tilespmem:$0x1D000] =	vst v63  }
0x164: {  	_ =	swait.ge [sflag:s14], $0x4000  }
0x165: {  	[sflag:s14] =	ssyncset.done $0x0  }
0x166: {  	s7 =	rddreg [dreg:$0xc];
	[sflag:s14] =	ssyncadd.s32 $0xFFFFC000  }
0x167: {  	[spmem:s2] =	stream.indirect.scatter.add.f32 [tilespmem:s12], [sflag:$0x3], $0x80, s7, s11, $0xb8;
	[tilespmem:$0x1D000] =	vst v63  }
0x168: {  	_ =	swait.ge [sflag:s9], $0x4000  }
0x169: {  	[sflag:s9] =	ssyncset.done $0x0  }
0x16a: {  	s8 =	rddreg [dreg:$0xd];
	[sflag:s9] =	ssyncadd.s32 $0xFFFFC000  }
0x16b: {  	[tilespmem:s12], [sflag:$0x1] =	stream.indirect.gather [hbm4b:s4+s11], $0x80, s8, s11, $0xb8;
	[tilespmem:$0x1D000] =	vst v63  }
0x16c: {  	_ =	swait.ge [sflag:s15], $0x4000  }
0x16d: {  	[sflag:s15] =	ssyncset.done $0x0  }
0x16e: {  	s24 =	rddreg [dreg:$0xe];
	[sflag:s15] =	ssyncadd.s32 $0xFFFFC000  }
0x16f: {  	[spmem:s2] =	stream.indirect.scatter.add.f32 [tilespmem:s13], [sflag:$0x3], $0x80, s24, s11, $0xb8;
	[tilespmem:$0x1D000] =	vst v63  }
0x170: {  	_ =	swait.ge [sflag:s9], $0x4000  }
0x171: {  	[sflag:s9] =	ssyncset.done $0x0  }
0x172: {  	s7 =	rddreg [dreg:$0xf];
	[sflag:s9] =	ssyncadd.s32 $0xFFFFC000  }
0x173: {  	[tilespmem:s13], [sflag:$0x2] =	stream.indirect.gather [hbm4b:s4+s11], $0x80, s7, s11, $0xb8;
	[tilespmem:$0x1D000] =	vst v63  }
0x174: {  	_ =	swait.ge [sflag:s14], $0x4000  }
0x175: {  	[sflag:s14] =	ssyncset.done $0x0  }
0x176: {  	s8 =	rddreg [dreg:$0x10];
	[sflag:s14] =	ssyncadd.s32 $0xFFFFC000  }
0x177: {  	[spmem:s2] =	stream.indirect.scatter.add.f32 [tilespmem:s12], [sflag:$0x3], $0x80, s8, s11, $0xb8;
	[tilespmem:$0x1D000] =	vst v63  }
0x178: {  	_ =	swait.ge [sflag:s9], $0x4000  }
0x179: {  	[sflag:s9] =	ssyncset.done $0x0  }
0x17a: {  	[sflag:s9] =	ssyncadd.s32 $0xFFFFC000  }
0x17b: {  	[tilespmem:s12], [sflag:$0x1] =	stream.indirect.gather [hbm4b:s4+s11], $0x80, s16, s11, $0xb8;
	[tilespmem:$0x1D000] =	vst v63  }
0x17c: {  	_ =	swait.ge [sflag:s15], $0x4000  }
0x17d: {  	[sflag:s15] =	ssyncset.done $0x0  }
0x17e: {  	[sflag:s15] =	ssyncadd.s32 $0xFFFFC000  }
0x17f: {  	[spmem:s2] =	stream.indirect.scatter.add.f32 [tilespmem:s13], [sflag:$0x3], $0x80, s17, s11, $0xb8;
	[tilespmem:$0x1D000] =	vst v63  }
0x180: {  	_ =	swait.ge [sflag:s9], $0x4000  }
0x181: {  	[sflag:s9] =	ssyncset.done $0x0  }
0x182: {  	[sflag:s9] =	ssyncadd.s32 $0xFFFFC000  }
0x183: {  	[tilespmem:s13], [sflag:$0x2] =	stream.indirect.gather [hbm4b:s4+s11], $0x80, s18, s11, $0xb8;
	[tilespmem:$0x1D000] =	vst v63  }
0x184: {  	_ =	swait.ge [sflag:s14], $0x4000  }
0x185: {  	[sflag:s14] =	ssyncset.done $0x0  }
0x186: {  	[sflag:s14] =	ssyncadd.s32 $0xFFFFC000  }
0x187: {  	[spmem:s2] =	stream.indirect.scatter.add.f32 [tilespmem:s12], [sflag:$0x3], $0x80, s19, s11, $0xb8;
	[tilespmem:$0x1D000] =	vst v63  }
0x188: {  	_ =	swait.ge [sflag:s9], $0x4000  }
0x189: {  	[sflag:s9] =	ssyncset.done $0x0  }
0x18a: {  	[sflag:s9] =	ssyncadd.s32 $0xFFFFC000  }
0x18b: {  	[tilespmem:s12], [sflag:$0x1] =	stream.indirect.gather [hbm4b:s4+s11], $0x80, s20, s11, $0xb8;
	[tilespmem:$0x1D000] =	vst v63  }
0x18c: {  	_ =	swait.ge [sflag:s15], $0x4000  }
0x18d: {  	[sflag:s15] =	ssyncset.done $0x0  }
0x18e: {  	[sflag:s15] =	ssyncadd.s32 $0xFFFFC000  }
0x18f: {  	[spmem:s2] =	stream.indirect.scatter.add.f32 [tilespmem:s13], [sflag:$0x3], $0x80, s21, s11, $0xb8;
	[tilespmem:$0x1D000] =	vst v63  }
0x190: {  	_ =	swait.ge [sflag:s9], $0x4000  }
0x191: {  	[sflag:s9] =	ssyncset.done $0x0  }
0x192: {  	[sflag:s9] =	ssyncadd.s32 $0xFFFFC000  }
0x193: {  	[tilespmem:s13], [sflag:$0x2] =	stream.indirect.gather [hbm4b:s4+s11], $0x80, s22, s11, $0xb8;
	[tilespmem:$0x1D000] =	vst v63  }
0x194: {  	_ =	swait.ge [sflag:s14], $0x4000  }
0x195: {  	[sflag:s14] =	ssyncset.done $0x0  }
0x196: {  	[sflag:s14] =	ssyncadd.s32 $0xFFFFC000  }
0x197: {  	[spmem:s2] =	stream.indirect.scatter.add.f32 [tilespmem:s12], [sflag:$0x3], $0x80, s23, s11, $0xb8;
	[tilespmem:$0x1D000] =	vst v63  }
0x198: {  	_ =	swait.ge [sflag:s9], $0x4000  }
0x199: {  	[sflag:s9] =	ssyncset.done $0x0  }
0x19a: {  	[sflag:s9] =	ssyncadd.s32 $0xFFFFC000  }
0x19b: {  	[tilespmem:s12], [sflag:$0x1] =	stream.indirect.gather [hbm4b:s4+s11], $0x80, s25, s11, $0xb8;
	[tilespmem:$0x1D000] =	vst v63  }
0x19c: {  	_ =	swait.ge [sflag:s15], $0x4000  }
0x19d: {  	[sflag:s15] =	ssyncset.done $0x0  }
0x19e: {  	[sflag:s15] =	ssyncadd.s32 $0xFFFFC000  }
0x19f: {  	[spmem:s2] =	stream.indirect.scatter.add.f32 [tilespmem:s13], [sflag:$0x3], $0x80, s26, s11, $0xb8;
	[tilespmem:$0x1D000] =	vst v63  }
0x1a0: {  	_ =	swait.ge [sflag:s9], $0x4000  }
0x1a1: {  	[sflag:s9] =	ssyncset.done $0x0  }
0x1a2: {  	[sflag:s9] =	ssyncadd.s32 $0xFFFFC000  }
0x1a3: {  	[tilespmem:s13], [sflag:$0x2] =	stream.indirect.gather [hbm4b:s4+s11], $0x80, s28, s11, $0xb8;
	[tilespmem:$0x1D000] =	vst v63  }
0x1a4: {  	_ =	swait.ge [sflag:s14], $0x4000  }
0x1a5: {  	[sflag:s14] =	ssyncset.done $0x0  }
0x1a6: {  	[sflag:s14] =	ssyncadd.s32 $0xFFFFC000  }
0x1a7: {  	[spmem:s2] =	stream.indirect.scatter.add.f32 [tilespmem:s12], [sflag:$0x3], $0x80, s29, s11, $0xb8;
	[tilespmem:$0x1D000] =	vst v63  }
0x1a8: {  	_ =	swait.ge [sflag:s9], $0x4000  }
0x1a9: {  	[sflag:s9] =	ssyncset.done $0x0  }
0x1aa: {  	[sflag:s9] =	ssyncadd.s32 $0xFFFFC000  }
0x1ab: {  	[tilespmem:s12], [sflag:$0x1] =	stream.indirect.gather [hbm4b:s4+s11], $0x80, s30, s11, $0xb8;
	[tilespmem:$0x1D000] =	vst v63  }
0x1ac: {  	_ =	swait.ge [sflag:s15], $0x4000  }
0x1ad: {  	[sflag:s15] =	ssyncset.done $0x0  }
0x1ae: {  	[sflag:s15] =	ssyncadd.s32 $0xFFFFC000  }
0x1af: {  	[spmem:s2] =	stream.indirect.scatter.add.f32 [tilespmem:s13], [sflag:$0x3], $0x80, s31, s11, $0xb8;
	[tilespmem:$0x1D000] =	vst v63  }
0x1b0: {  	_ =	swait.ge [sflag:s9], $0x4000  }
0x1b1: {  	[sflag:s9] =	ssyncset.done $0x0  }
0x1b2: {  	[sflag:s9] =	ssyncadd.s32 $0xFFFFC000  }
0x1b3: {  	[tilespmem:s13], [sflag:$0x2] =	stream.indirect.gather [hbm4b:s4+s11], $0x80, s1, s11, $0xb8;
	[tilespmem:$0x1D000] =	vst v63  }
0x1b4: {  	_ =	swait.ge [sflag:s14], $0x4000  }
0x1b5: {  	[sflag:s14] =	ssyncset.done $0x0  }
0x1b6: {  	[sflag:s14] =	ssyncadd.s32 $0xFFFFC000  }
0x1b7: {  	[spmem:s2] =	stream.indirect.scatter.add.f32 [tilespmem:s12], [sflag:$0x3], $0x80, s0, s11, $0xb8;
	[tilespmem:$0x1D000] =	vst v63  }
0x1b8: {  	_ =	swait.ge [sflag:s9], $0x4000  }
0x1b9: {  	[sflag:s9] =	ssyncset.done $0x0  }
0x1ba: {  	[sflag:s9] =	ssyncadd.s32 $0xFFFFC000  }
0x1bb: {  	_ =	swait.ge [sflag:s15], $0x4000  }
0x1bc: {  	[sflag:s15] =	ssyncset.done $0x0  }
0x1bd: {  	[sflag:s15] =	ssyncadd.s32 $0xFFFFC000  }
0x1be: {  	[spmem:s2] =	stream.indirect.scatter.add.f32 [tilespmem:s13], [sflag:$0x3], $0x80, s5, s11, $0xb8;
	[tilespmem:$0x1D000] =	vst v63  }
0x1bf: {  	_ =	swait.ge [sflag:s9], $0x4000  }
0x1c0: {  	[sflag:s9] =	ssyncset.done $0x0  }
0x1c1: {  	[sflag:s9] =	ssyncadd.s32 $0xFFFFC000  }
0x1c2: {  	[bflag:$0x0] =	sbarrier.arrive $0xFFFF  }
0x1c3: {  	s8 =	rddreg [dreg:$0x12]  }
0x1c4: {  	s7 =	rddreg [dreg:$0x14]  }
0x1c5: {  	s24 =	rddreg [dreg:$0x15]  }
0x1c6: {  	[hbm:s24], [sflag:s8] =	dma.local [spmem:s7], $0x2800  }
0x1c7: {  	_ =	swait.ge [sflag:s9], $0x2800  }
0x1c8: {  	s6 =	rddreg [dreg:$0x16]  }
0x1c9: {  	s24 =	sadd.s32 $0x1, s6;
	s6 =	rddreg [dreg:$0x13]  }
0x1ca: {  	p0 =	sne.s32 s24, s6  }
.Ltmp1:
0x1cb: {  	_ = 	snop;
	(pc) =	sbr.rel @p0 .LBB2_1-.Ltmp1, $3  }
0x1cc: {  	_ =	sdelay $0x1  }
0x1cd: {  	[sflag:s9] =	ssyncset.done $0x0  }
0x1ce: {  	[sflag:s9] =	ssyncadd.s32 $0xFFFFD800  }
0x1cf: {  	_ =	sfence.sel $0x180000  }
0x1d0: {  	[bflag:$0x0] =	sbarrier.arrive $0xFFFF  }
0x1d1: {  	_ =	strace $0x9000004D  }
0x1d2: {  	s0 =	stileid.u32;
	[bflag:$0x2] =	sbarrier.arrive $0xFFFF  }
0x1d3: {  	p0 =	sne.s32 s0, $0x0;
	s0 =	rddreg [dreg:$0x2]  }
0x1d4: {  	s0 =	sadd.s32 @!p0 $0x100000, s0  }
0x1d5: {  	[sflag:s0] =	ssyncadd.tile.s32 @!p0 $0x1;
	_ =	shalt  }
.Lfunc_end2:
_tile_overlayer_lowered:
.L_overlay_start_2:
0x1d6: {  	(tag) =	ssettag $0x2  }
0x1d7: {  	s0 =	rddreg [dreg:$0x0];
	s2 =	stileid.u32  }
0x1d8: {  	s1 =	rddreg [dreg:$0x1];
	p0 =	sne.s32 s2, $0x0  }
0x1d9: {  	s3 =	rddreg [dreg:$0x2];
	[bflag:$0x3] =	sbarrier.arrive $0xFFFF;
	s2 =	simm.s32 @!p0 $0x1C03  }
0x1da: {  	[timem:s3], [sflag:s2] =	dma.local @!p0 [hbm:s0], s1  }
0x1db: {  	s0 =	simm.s32 @!p0 $0x3  }
0x1dc: {  	_ =	swait.ge @!p0 [sflag:s0], s1  }
0x1dd: {  	s1 =	ssub.s32 @!p0 $0x0, s1;
	[sflag:s0] =	ssyncset.done @!p0 $0x0  }
0x1de: {  	[sflag:s0] =	ssyncadd.s32 @!p0 s1  }
0x1df: {  	[bflag:$0x3] =	sbarrier.arrive $0xFFFF  }
0x1e0: {  	_ =	shalt  }

// kernel: kernel.8.cloned.1.call-start
scs
__scs_entry_jumppad:
0x0: {  	(pc) =	sbr.rel $0x88, $3  }
0x1: {  	(tag) =	ssettag $0x0;
	lr =	simm.s32 $0x1  }
0x2: {  	[smem:$0x3F9B] =	sst lr;
	_ =	strace $0xD0000000  }
0x3: {  	_ = 	snop  }
0x4: {  	_ = 	snop  }
0x5: {  	_ = 	snop  }
0x6: {  	_ = 	snop  }
0x7: {  	_ = 	snop  }
__scs_overlays_trampoline_lowered:
0x8: {  	[smem:$0x3FAA] =	sst s0  }
0x9: {  	[smem:$0x3FAB] =	sst s1  }
0xa: {  	[smem:$0x3FAC] =	sst s2  }
0xb: {  	[smem:$0x3FAD] =	sst s3  }
0xc: {  	[smem:$0x3FAE] =	sst s4  }
0xd: {  	[smem:$0x3FAF] =	sst s5  }
0xe: {  	[smem:$0x3FB0] =	sst s6  }
0xf: {  	[smem:$0x3FB1] =	sst s7  }
0x10: {  	[smem:$0x3FB2] =	sst s8  }
0x11: {  	[smem:$0x3FB3] =	sst s9;
	s0 =	simm.s32 @!p0 $0x0  }
0x12: {  	s1 =	sld [smem:$0x3F99];
	s0 =	simm.s32 @p0 $0x1  }
0x13: {  	[smem:$0x3FB4] =	sst s0;
	s0 =	simm.s32 @!p1 $0x0  }
0x14: {  	s2 =	sld [smem:$0x3F98];
	s0 =	simm.s32 @p1 $0x1  }
0x15: {  	[smem:$0x3FB5] =	sst s0;
	s0 =	simm.s32 @!p2 $0x0  }
0x16: {  	s3 =	sld [smem:$0x3FDB];
	s0 =	simm.s32 @p2 $0x1  }
0x17: {  	s4 =	simm.s32 $0x1BF5;
	[smem:$0x3FB7] =	sst s0  }
0x18: {  	s0 =	sld [smem:$0x3F9A];
	_ =	swait.ge [sflag:s4], $0x0  }
0x19: {  	s7 =	sld [smem:$0x3F9B]  }
0x1a: {  	s8 =	sadd.s32 $0xFFFFE003, lr  }
0x1b: {  	s9 =	sadd.s32 $0xFFFFFEF7, lr;
	s5 =	simm.s32 $0xFFFFFFFF;
	p2 =	slt.u32 s8, $0xFFFFF086  }
0x1c: {  	p1 =	slt.u32 s9, $0xF7A;
	s5 =	simm.s32 @!p2 $0x0  }
0x1d: {  	s5 =	simm.s32 @p1 $0x1;
	p0 =	seq.s32 s7, s2  }
0x1e: {  	s7 =	smul.u32 @!p0 $0xF7A, s2;
	p2 =	seq.s32 @!p0 s5, $0x0  }
0x1f: {  	s9 =	smul.u32 $0xF7A, s1;
	s8 =	simm.s32 @!p0 $0x1BF5;
	p2 =	por !p2, p0  }
0x20: {  	[sflag:s8] =	ssyncset.s32 @!p0 $0xFFFFF086;
	s6 =	sadd.s32 @!p0 s3, s7;
	s7 =	simm.s32 @!p0 $0x108  }
0x21: {  	s3 =	sadd.s32 s3, s9;
	s6 =	sadd.s32 @!p0 $0x88, s6;
	s7 =	simm.s32 @p2 $0x1082  }
0x22: {  	[simem:s7], [sflag:s8] =	dma.local @!p0 [hbm:s6], $0xF7A  }
0x23: {  	s9 =	sor.u32 $0xD0000000, s2;
	s6 =	simm.s32 $0x108;
	_ =	swait.ge @!p0 [sflag:s8], $0x0  }
0x24: {  	s3 =	sadd.s32 $0x88, s3;
	s6 =	simm.s32 @!p1 $0x1082;
	[sflag:s4] =	ssyncset.s32 $0xFFFFF086  }
0x25: {  	[simem:s6], [sflag:s4] =	dma.local [hbm:s3], $0xF7A  }
0x26: {  	[smem:$0x3F9B] =	sst s1;
	(tag) =	ssettag s2;
	_ =	strace s9  }
0x27: {  	s1 =	sld [smem:$0x3FAB]  }
0x28: {  	s2 =	sld [smem:$0x3FAC]  }
0x29: {  	s4 =	sld [smem:$0x3FAE]  }
0x2a: {  	p0 =	seq.s32 s5, $0x0;
	s5 =	sld [smem:$0x3FAF]  }
0x2b: {  	s6 =	sld [smem:$0x3FB0]  }
0x2c: {  	s7 =	sld [smem:$0x3FB1]  }
0x2d: {  	s3 =	simm.s32 $0x108;
	s8 =	sld [smem:$0x3FB2]  }
0x2e: {  	s3 =	simm.s32 @!p0 $0x1082;
	s9 =	sld [smem:$0x3FB3]  }
0x2f: {  	lr =	sadd.s32 s0, s3;
	s0 =	sld [smem:$0x3FAA]  }
0x30: {  	s3 =	sld [smem:$0x3FAD]  }
0x31: {  	[smem:$0x3FB6] =	sst s10  }
0x32: {  	s10 =	sld [smem:$0x3FB4];
	_ =	sdelay $0x3  }
0x33: {  	p0 =	seq.s32 s10, $0x1;
	s10 =	sld [smem:$0x3FB6];
	_ =	sdelay $0x3  }
0x34: {  	[smem:$0x3FB6] =	sst s10  }
0x35: {  	s10 =	sld [smem:$0x3FB5];
	_ =	sdelay $0x3  }
0x36: {  	p1 =	seq.s32 s10, $0x1;
	s10 =	sld [smem:$0x3FB6];
	_ =	sdelay $0x3  }
0x37: {  	[smem:$0x3FB6] =	sst s10  }
0x38: {  	s10 =	sld [smem:$0x3FB7]  }
0x39: {  	_ = 	snop;
	(pc) =	sbr.ind lr, $3  }
0x3a: {  	_ = 	snop  }
0x3b: {  	_ = 	snop  }
0x3c: {  	p2 =	seq.s32 s10, $0x1;
	s10 =	sld [smem:$0x3FB6]  }
0x3d: {  	_ =	shalt  }
0x3e: {  	_ =	shalt  }
0x3f: {  	_ =	shalt  }
0x40: {  	_ =	shalt  }
0x41: {  	_ =	shalt  }
0x42: {  	_ =	shalt  }
0x43: {  	_ =	shalt  }
0x44: {  	_ =	shalt  }
0x45: {  	_ =	shalt  }
0x46: {  	_ =	shalt  }
0x47: {  	_ =	shalt  }
0x48: {  	_ =	shalt  }
0x49: {  	_ =	shalt  }
0x4a: {  	_ =	shalt  }
0x4b: {  	_ =	shalt  }
0x4c: {  	_ =	shalt  }
0x4d: {  	_ =	shalt  }
0x4e: {  	_ =	shalt  }
0x4f: {  	_ =	shalt  }
0x50: {  	_ =	shalt  }
0x51: {  	_ =	shalt  }
0x52: {  	_ =	shalt  }
0x53: {  	_ =	shalt  }
0x54: {  	_ =	shalt  }
0x55: {  	_ =	shalt  }
0x56: {  	_ =	shalt  }
0x57: {  	_ =	shalt  }
0x58: {  	_ =	shalt  }
0x59: {  	_ =	shalt  }
0x5a: {  	_ =	shalt  }
0x5b: {  	_ =	shalt  }
0x5c: {  	_ =	shalt  }
0x5d: {  	_ =	shalt  }
0x5e: {  	_ =	shalt  }
0x5f: {  	_ =	shalt  }
0x60: {  	_ =	shalt  }
0x61: {  	_ =	shalt  }
0x62: {  	_ =	shalt  }
0x63: {  	_ =	shalt  }
0x64: {  	_ =	shalt  }
0x65: {  	_ =	shalt  }
0x66: {  	_ =	shalt  }
0x67: {  	_ =	shalt  }
0x68: {  	_ =	shalt  }
0x69: {  	_ =	shalt  }
0x6a: {  	_ =	shalt  }
0x6b: {  	_ =	shalt  }
0x6c: {  	_ =	shalt  }
0x6d: {  	_ =	shalt  }
0x6e: {  	_ =	shalt  }
0x6f: {  	_ =	shalt  }
0x70: {  	_ =	shalt  }
0x71: {  	_ =	shalt  }
0x72: {  	_ =	shalt  }
0x73: {  	_ =	shalt  }
0x74: {  	_ =	shalt  }
0x75: {  	_ =	shalt  }
0x76: {  	_ =	shalt  }
0x77: {  	_ =	shalt  }
0x78: {  	_ =	shalt  }
0x79: {  	_ =	shalt  }
0x7a: {  	_ =	shalt  }
0x7b: {  	_ =	shalt  }
0x7c: {  	_ =	shalt  }
0x7d: {  	_ =	shalt  }
0x7e: {  	_ =	shalt  }
0x7f: {  	_ =	shalt  }
0x80: {  	_ =	shalt  }
0x81: {  	_ =	shalt  }
0x82: {  	_ =	shalt  }
0x83: {  	_ =	shalt  }
0x84: {  	_ =	shalt  }
0x85: {  	_ =	shalt  }
0x86: {  	_ =	shalt  }
0x87: {  	_ =	shalt  }
.Lfunc_end0:
.L_simem_size_0:
called_computation_lowered:
.L_overlay_start_0:
0x88: {  	s2 =	sld [smem:$0x3FD9]  }
0x89: {  	s3 =	sld [smem:$0x3FFE];
	_ =	sdelay $0x1  }
0x8a: {  	s1 =	srdreg.scid  }
0x8b: {  	s0 =	sand.u32 $0x1, s1  }
0x8c: {  	s17 =	sshll.u32 s0, $0xA;
	s2 =	sadd.s32 s3, s2  }
0x8d: {  	s2 =	sadd.s32 s2, s17  }
0x8e: {  	[smem:$0x3FC2] =	sst s2  }
0x8f: {  	_ = 	snop  }
0x90: {  	s2 =	sld [smem:$0x3FD0];
	(tm) =	ssettm $0x1  }
0x91: {  	s18 =	sld [smem:$0x3FFB];
	_ =	sdelay $0x3  }
0x92: {  	_ =	strace s18  }
0x93: {  	s3 =	sld [smem:$0x3FFC];
	_ =	sdelay $0x3  }
0x94: {  	_ =	strace s3  }
0x95: {  	s3 =	sld [smem:$0x3FFD];
	_ =	sdelay $0x3  }
0x96: {  	_ =	strace s3  }
0x97: {  	_ =	strace $0x8FFFFFFF  }
0x98: {  	s19 =	sld [smem:$0x3FDB];
	_ =	sdelay $0x1  }
0x99: {  	s4 =	simm.s32 $_scs_section_size  }
0x9a: {  	s5 =	simm.s32 $_size__tile_overlayer_lowered;
	s6 =	simm.s32 $_tile_overlayer_lowered  }
0x9b: {  	s22 =	simm.s32 $0x1BFF;
	s21 =	sshll.u32 s6, $0x1;
	s3 =	sadd.s32 s4, s19  }
0x9c: {  	s7 =	simm.s32 $0x0;
	s20 =	sshll.u32 s5, $0x1;
	s5 =	sadd.s32 s21, s3  }
0x9d: {  	[timem:s7], [sflag:s22] =	dma.local [hbm:s5], s20  }
0x9e: {  	_ =	swait.ge [sflag:s22], s20  }
0x9f: {  	s4 =	ssub.s32 $0x0, s20;
	[sflag:s22] =	ssyncset.done $0x0  }
0xa0: {  	[sflag:s22] =	ssyncadd.s32 s4;
	_ =	sdelay $0x1  }
0xa1: {  	s23 =	simm.s32 $0x1B8B  }
0xa2: {  	_ =	swait.ge [sflag:s23], $0x1  }
0xa3: {  	[sflag:s23] =	ssyncset.done $0x0  }
0xa4: {  	s25 =	simm.s32 $0x1B8E;
	s24 =	sld [smem:$0x3FFE];
	[sflag:s23] =	ssyncadd.s32 $0xFFFFFFFF  }
0xa5: {  	s26 =	simm.s32 $execute0_lowered;
	[smem:$0x3FD2] =	sst s25  }
0xa6: {  	s5 =	sshll.u32 s26, $0x1;
	_ =	strace $0x80000046;
	[dreg:$0x1] =	wrdreg $0xFFFFFFFF  }
0xa7: {  	s28 =	simm.s32 $_size_execute0_lowered;
	s3 =	sadd.s32 s3, s5;
	[dreg:$0x0] =	wrdreg $0x0  }
0xa8: {  	s5 =	sshll.u32 s28, $0x1;
	[dreg:$0x2] =	wrdreg s3  }
0xa9: {  	[dreg:$0x3] =	wrdreg s5  }
0xaa: {  	[dreg:$0x4] =	wrdreg $0xC0  }
0xab: {  	_ =	task [dreg:s7], $0x5FFFF  }
0xac: {  	[dreg:$0x1] =	wrdreg $0xFFFFFFFF  }
0xad: {  	[dreg:$0x0] =	wrdreg $0x60  }
0xae: {  	[dreg:$0x2] =	wrdreg s24  }
0xaf: {  	[dreg:$0x3] =	wrdreg s2  }
0xb0: {  	[dreg:$0x4] =	wrdreg $0x9  }
0xb1: {  	_ =	task.clear_ibuf [dreg:s7], $0x5FFFF;
	_ =	strace $0x90000046  }
0xb2: {  	s29 =	simm.s32 $0x9;
	_ =	strace $0x80000048  }
0xb3: {  	_ =	swait.ge [sflag:s29], $0x1  }
0xb4: {  	[sflag:s29] =	ssyncadd.s32 $0xFFFFFFFF  }
0xb5: {  	_ =	strace $0x90000048  }
0xb6: {  	_ =	sfence  }
0xb7: {  	s30 =	sld [smem:$0x0];
	_ =	sdelay $0x2  }
0xb8: {  	s31 =	sshll.u32 s1, $0xD;
	s1 =	sshrl.u32 s1, $0x2  }
0xb9: {  	s3 =	sand.u32 $0x4000, s31;
	s1 =	sadd.s32 s1, s30  }
0xba: {  	s0 =	sor.u32 s3, s0;
	s1 =	sshll.u32 s1, $0x11  }
0xbb: {  	s0 =	sor.u32 s1, s0  }
0xbc: {  	s0 =	sadd.s32 $0x8F2B, s0  }
0xbd: {  	[sflag:s0] =	ssyncadd.remote.s32 $0x1  }
0xbe: {  	_ =	sfence.sel $0xFFFF  }
0xbf: {  	[dreg:$0x0] =	wrdreg $0xFFFFFFFF;
	(pc) =	sbr.abs _section_cstart, $3  }
0xc0: {  	[dreg:$0x1] =	wrdreg $0xFFFFFFFF  }
0xc1: {  	_ =	task.clear_ibuf [dreg:s7], $0x2FFFF;
	_ =	strace $0x9FFFFFFF  }
0xc2: {  	(tm) =	ssettm $0x7FFFFFFF  }
0xc3: {  	_ =	shalt  }
tec
execute0_lowered:
.L_overlay_start_1:
0x0: {  	(tag) =	ssettag $0x1  }
0x1: {  	s0 =	srdreg.scid;
	s3 =	rddreg [dreg:$0x0]  }
0x2: {  	s5 =	rddreg [dreg:$0x1];
	s4 =	sand.u32 $0x1, s0  }
0x3: {  	s1 =	stileid.u32;
	s2 =	simm.s32 $0x0;
	s6 =	sshll.u32 s4, $0x4  }
0x4: {  	s10 =	simm.s32 $0x500;
	s11 =	simm.s32 $0x1;
	s6 =	sor.u32 s1, s6  }
0x5: {  	s12 =	simm.s32 $0x0;
	s0 =	rddreg [dreg:$0x2];
	s7 =	smul.u32 $0x1400, s6  }
0x6: {  	[smem:$0x7FF] =	sst s2;
	s4 =	ssub.s32 $0x2, s4;
	s6 =	smul.u32 $0x500, s6  }
0x7: {  	_ =	strace $0x80000047;
	s8 =	sshrl.u32 s4, $0x1;
	s7 =	sshrl.u32 s7, $0x3  }
0x8: {  	s31 =	ssub.s32 s4, s8;
	s4 =	sadd.s32 s5, s6;
	s9 =	sadd.s32 s7, s3  }
0x9: {  	s5 =	smax.u32 s31, $0x1;
	s3 =	sadd.s32 $0xBE00, s3;
	s6 =	sadd.s32 $0x6E00, s9  }
0xa: {  	v0 =	vimm.f32 $1.000000000e+00;
	s7 =	sadd.s32 $0x6EA0, s9;
	s8 =	sadd.s32 $0x6F40, s9;
	s9 =	sadd.s32 $0x6FE0, s9  }
.LBB2_1:
0xb: {  	[tilespmem:s10], [sflag:$0x1] =	stream.linear.gather [hbm4b:s3+s2], $0x2800, $0x38;
	[tilespmem:$0x2D00] =	vst v63  }
0xc: {  	_ =	swait.ge [sflag:s11], $0x2800  }
0xd: {  	[sflag:s11] =	ssyncset.done $0x0  }
0xe: {  	[sflag:s11] =	ssyncadd.s32 $0xFFFFD800  }
0xf: {  	[tilespmem:s2], [sflag:$0x1] =	stream.linear.gather [hbm4b:s6+s2], $0x500, $0x38;
	[tilespmem:$0x2D00] =	vst v63  }
0x10: {  	_ =	swait.ge [sflag:s11], $0x500  }
0x11: {  	[sflag:s11] =	ssyncset.done $0x0  }
0x12: {  	s14 =	simm.s32 $0x0;
	s13 =	simm.s32 $0x40;
	[sflag:s11] =	ssyncadd.s32 $0xFFFFFB00  }
.LBB2_2:
0x13: {  	p0 =	sne.s32 s13, $0x13C0;
	v1 =	vld [tilespmem:s14+$0x0];
	_ =	sdelay $0x3  }
.Ltmp0:
0x14: {  	(pc) =	sbr.rel @p0 .LBB2_2-.Ltmp0, $2  }
0x15: {  	_ =	sdelay $0x2  }
0x16: {  	s14 =	sshra.s32 s13, $0x2;
	s13 =	sadd.s32 $0x40, s13;
	[tilespmem:v1+s10+$0x0] =	vst.idx.add.f32.msk $0xffff, v0  }
0x17: {  	v1 =	vld [tilespmem:s14+$0x0];
	_ =	sdelay $0x7  }
0x18: {  	s13 =	simm.s32 $0x0;
	[tilespmem:v1+s10+$0x0] =	vst.idx.add.f32.msk $0xffff, v0  }
0x19: {  	[tilespmem:s13], [sflag:$0x1] =	stream.linear.gather [hbm4b:s7+s13], $0x500, $0x38;
	[tilespmem:$0x2D00] =	vst v63  }
0x1a: {  	_ =	swait.ge [sflag:s11], $0x500  }
0x1b: {  	[sflag:s11] =	ssyncset.done $0x0  }
0x1c: {  	s14 =	simm.s32 $0x0;
	s13 =	simm.s32 $0x40;
	[sflag:s11] =	ssyncadd.s32 $0xFFFFFB00  }
.LBB2_4:
0x1d: {  	p0 =	sne.s32 s13, $0x13C0;
	v1 =	vld [tilespmem:s14+$0x0];
	_ =	sdelay $0x3  }
.Ltmp1:
0x1e: {  	(pc) =	sbr.rel @p0 .LBB2_4-.Ltmp1, $2  }
0x1f: {  	_ =	sdelay $0x2  }
0x20: {  	s14 =	sshra.s32 s13, $0x2;
	s13 =	sadd.s32 $0x40, s13;
	[tilespmem:v1+s10+$0x0] =	vst.idx.add.f32.msk $0xffff, v0  }
0x21: {  	v1 =	vld [tilespmem:s14+$0x0];
	_ =	sdelay $0x7  }
0x22: {  	s13 =	simm.s32 $0x0;
	[tilespmem:v1+s10+$0x0] =	vst.idx.add.f32.msk $0xffff, v0  }
0x23: {  	[tilespmem:s13], [sflag:$0x1] =	stream.linear.gather [hbm4b:s8+s13], $0x500, $0x38;
	[tilespmem:$0x2D00] =	vst v63  }
0x24: {  	_ =	swait.ge [sflag:s11], $0x500  }
0x25: {  	[sflag:s11] =	ssyncset.done $0x0  }
0x26: {  	s14 =	simm.s32 $0x0;
	s13 =	simm.s32 $0x40;
	[sflag:s11] =	ssyncadd.s32 $0xFFFFFB00  }
.LBB2_6:
0x27: {  	p0 =	sne.s32 s13, $0x13C0;
	v1 =	vld [tilespmem:s14+$0x0];
	_ =	sdelay $0x3  }
.Ltmp2:
0x28: {  	(pc) =	sbr.rel @p0 .LBB2_6-.Ltmp2, $2  }
0x29: {  	_ =	sdelay $0x2  }
0x2a: {  	s14 =	sshra.s32 s13, $0x2;
	s13 =	sadd.s32 $0x40, s13;
	[tilespmem:v1+s10+$0x0] =	vst.idx.add.f32.msk $0xffff, v0  }
0x2b: {  	v1 =	vld [tilespmem:s14+$0x0];
	_ =	sdelay $0x7  }
0x2c: {  	s13 =	simm.s32 $0x0;
	[tilespmem:v1+s10+$0x0] =	vst.idx.add.f32.msk $0xffff, v0  }
0x2d: {  	[tilespmem:s13], [sflag:$0x1] =	stream.linear.gather [hbm4b:s9+s13], $0x500, $0x38;
	[tilespmem:$0x2D00] =	vst v63  }
0x2e: {  	_ =	swait.ge [sflag:s11], $0x500  }
0x2f: {  	[sflag:s11] =	ssyncset.done $0x0  }
0x30: {  	s14 =	simm.s32 $0x0;
	s13 =	simm.s32 $0x40;
	[sflag:s11] =	ssyncadd.s32 $0xFFFFFB00  }
.LBB2_8:
0x31: {  	p0 =	sne.s32 s13, $0x13C0;
	v1 =	vld [tilespmem:s14+$0x0];
	_ =	sdelay $0x3  }
.Ltmp3:
0x32: {  	(pc) =	sbr.rel @p0 .LBB2_8-.Ltmp3, $2  }
0x33: {  	_ =	sdelay $0x2  }
0x34: {  	s14 =	sshra.s32 s13, $0x2;
	s13 =	sadd.s32 $0x40, s13;
	[tilespmem:v1+s10+$0x0] =	vst.idx.add.f32.msk $0xffff, v0  }
0x35: {  	v1 =	vld [tilespmem:s14+$0x0];
	_ =	sdelay $0x5  }
0x36: {  	s12 =	sadd.s32 $0x1, s12  }
0x37: {  	p0 =	sne.s32 s12, s5  }
.Ltmp4:
0x38: {  	[tilespmem:v1+s10+$0x0] =	vst.idx.add.f32.msk $0xffff, v0;
	(pc) =	sbr.rel @p0 .LBB2_1-.Ltmp4, $4  }
0x39: {  	[hbm4b:s4+s2] =	stream.linear.scatter [tilespmem:s10], [sflag:$0x1], $0x2800, $0x38;
	[tilespmem:$0x2D00] =	vst v63  }
0x3a: {  	_ =	swait.ge [sflag:s11], $0x2800  }
0x3b: {  	[sflag:s11] =	ssyncset.done $0x0  }
0x3c: {  	[sflag:s11] =	ssyncadd.s32 $0xFFFFD800  }
0x3d: {  	_ =	sfence.sel $0x180000  }
0x3e: {  	[bflag:$0x0] =	sbarrier.arrive $0xFFFF  }
0x3f: {  	p0 =	sne.s32 s1, $0x0;
	_ =	strace $0x90000047  }
0x40: {  	s0 =	sadd.s32 @!p0 $0x100000, s0;
	[bflag:$0x2] =	sbarrier.arrive $0xFFFF  }
0x41: {  	[sflag:s0] =	ssyncadd.tile.s32 @!p0 $0x1;
	_ =	shalt  }
.Lfunc_end2:
_tile_overlayer_lowered:
.L_overlay_start_2:
0x42: {  	(tag) =	ssettag $0x2  }
0x43: {  	s0 =	rddreg [dreg:$0x0];
	s2 =	stileid.u32  }
0x44: {  	s1 =	rddreg [dreg:$0x1];
	p0 =	sne.s32 s2, $0x0  }
0x45: {  	s3 =	rddreg [dreg:$0x2];
	[bflag:$0x3] =	sbarrier.arrive $0xFFFF;
	s2 =	simm.s32 @!p0 $0x1C01  }
0x46: {  	[timem:s3], [sflag:s2] =	dma.local @!p0 [hbm:s0], s1  }
0x47: {  	s0 =	simm.s32 @!p0 $0x1  }
0x48: {  	_ =	swait.ge @!p0 [sflag:s0], s1  }
0x49: {  	s1 =	ssub.s32 @!p0 $0x0, s1;
	[sflag:s0] =	ssyncset.done @!p0 $0x0  }
0x4a: {  	[sflag:s0] =	ssyncadd.s32 @!p0 s1  }
0x4b: {  	[bflag:$0x3] =	sbarrier.arrive $0xFFFF  }
0x4c: {  	_ =	shalt  }

</sc_bundles>
